<compile_context>
chip_gen: v7x
topology: tpu7x:2x2x1
jax: 0.10.2.dev20260603
libtpu: 0.0.44.dev20260713+nightly
codegen_flags: <defaults>
</compile_context>

<pallas_src>
import functools

import jax
import jax.numpy as jnp
from jax import lax
from jax.experimental import pallas as pl
from jax.experimental.pallas import tpu as pltpu
from jax.experimental.pallas import tpu_sc as plsc

_B = 2
_N = 2048
_M = 2048
_K = 16
_C1 = 64
_C2 = 64
_CO = 64
_D = 128
_DO = 64
_TN = 256
_TN2 = 256
_TP = _TN2 * _K
_NK = _N * _K
_EPS = 1e-5
_QB = (1 << 19) - 1
_CP = pltpu.CompilerParams(dimension_semantics=("parallel", "arbitrary"))



def _topk_body(x1t_ref, x1_ref, x2_ref, f2_ref, f1_ref,
               wfa_ref, wfb_ref, w2f_ref, w2x_ref, b0_ref,
               idx_ref, tab_ref, hf_ref):
    b = pl.program_id(0)
    t = pl.program_id(1)

    @pl.when(t == 0)
    def _():
        u = (
            jnp.dot(w2f_ref[...], f2_ref[0], preferred_element_type=jnp.float32)
            + jnp.dot(w2x_ref[...], x2_ref[0], preferred_element_type=jnp.float32)
        )
        tab_ref[0, :, 0:_DO] = u.T
        tab_ref[0, :, _DO:] = jnp.zeros((_M, _D - _DO), jnp.float32)

    hf = (
        jnp.dot(wfa_ref[...], f1_ref[0], preferred_element_type=jnp.float32)
        + jnp.dot(wfb_ref[...], x1_ref[0], preferred_element_type=jnp.float32)
        + b0_ref[...]
    )
    hf_ref[0] = hf

    x1t = x1t_ref[0]
    x2 = x2_ref[0]
    d0 = x1t[:, 0:1] - x2[0:1, :]
    d1 = x1t[:, 1:2] - x2[1:2, :]
    d2c = x1t[:, 2:3] - x2[2:3, :]
    d2 = d0 * d0 + d1 * d1 + d2c * d2c

    cm = jnp.min(d2.reshape(_TN, 16, 128), axis=2)
    hi = jnp.max(cm, axis=1, keepdims=True)
    scale = jnp.float32(_QB) / jnp.maximum(hi, jnp.float32(1e-37))
    dq = jnp.minimum(d2 * scale, jnp.float32(_QB))
    di = dq.astype(jnp.int32)
    iota = lax.broadcasted_iota(jnp.int32, (_TN, _M), 1)
    keys = lax.bitcast_convert_type(
        ((di << 11) | iota) + jnp.int32(0x00800000), jnp.float32)

    big = lax.bitcast_convert_type(jnp.int32(0x7F000000), jnp.float32)
    cols = []
    for _ in range(_K):
        mn = jnp.min(keys, axis=1, keepdims=True)
        cols.append(mn)
        keys = jnp.where(keys == mn, big, keys)
    idx = lax.bitcast_convert_type(
        jnp.concatenate(cols, axis=1), jnp.int32) & jnp.int32(0x7FF)
    idx_ref[0] = idx + b * _M


def _topk(xyz1t, xyz1, xyz2p, feat2, feat1, wfa, wfb, w2f, w2x, b0c):
    grid = (_B, _N // _TN)
    return pl.pallas_call(
        _topk_body,
        grid=grid,
        in_specs=[
            pl.BlockSpec((1, _TN, 3), lambda b, t: (b, t, 0)),
            pl.BlockSpec((1, 8, _TN), lambda b, t: (b, 0, t)),
            pl.BlockSpec((1, 8, _M), lambda b, t: (b, 0, 0)),
            pl.BlockSpec((1, _C2, _M), lambda b, t: (b, 0, 0)),
            pl.BlockSpec((1, _C1, _TN), lambda b, t: (b, 0, t)),
            pl.BlockSpec((_CO, _C1), lambda b, t: (0, 0)),
            pl.BlockSpec((_CO, 8), lambda b, t: (0, 0)),
            pl.BlockSpec((_CO, _C2), lambda b, t: (0, 0)),
            pl.BlockSpec((_CO, 8), lambda b, t: (0, 0)),
            pl.BlockSpec((_CO, 1), lambda b, t: (0, 0)),
        ],
        out_specs=[
            pl.BlockSpec((1, _TN, _K), lambda b, t: (b, t, 0)),
            pl.BlockSpec((1, _M, _D), lambda b, t: (b, 0, 0)),
            pl.BlockSpec((1, _CO, _TN), lambda b, t: (b, 0, t)),
        ],
        out_shape=[
            jax.ShapeDtypeStruct((_B, _N, _K), jnp.int32),
            jax.ShapeDtypeStruct((_B, _M, _D), jnp.float32),
            jax.ShapeDtypeStruct((_B, _CO, _N), jnp.float32),
        ],
        compiler_params=_CP,
    )(xyz1t, xyz1, xyz2p, feat2, feat1, wfa, wfb, w2f, w2x, b0c)



def _sc_gather(table, idx3):
    info = plsc.get_sparse_core_info()
    nw = info.num_cores * info.num_subcores
    btot = _B * _NK
    b_per_w = btot // nw
    ch_sz = 128
    n_ch = b_per_w // ch_sz
    mesh = plsc.VectorSubcoreMesh(core_axis_name="c", subcore_axis_name="s")

    @functools.partial(
        pl.kernel,
        mesh=mesh,
        out_type=jax.ShapeDtypeStruct((btot, _D), jnp.float32),
        scratch_types=[
            pltpu.VMEM((n_ch, ch_sz), jnp.int32),
            pltpu.VMEM((ch_sz, _D), jnp.float32),
            pltpu.SemaphoreType.DMA,
        ],
    )
    def gk(table_hbm, idx_hbm, out_hbm, idx_v, rows_v, sem):
        wid = lax.axis_index("s") * info.num_cores + lax.axis_index("c")
        base = wid * b_per_w
        pltpu.sync_copy(idx_hbm.at[wid], idx_v)
        for ch in range(n_ch):
            pltpu.async_copy(table_hbm.at[idx_v.at[ch]], rows_v, sem).wait()
            pltpu.sync_copy(rows_v, out_hbm.at[pl.ds(base + ch * ch_sz, ch_sz)])

    return gk(table, idx3)



def _leaky(x):
    return jnp.where(x >= 0, x, 0.1 * x)


def _fold(st_ref, g_ref, be_ref):
    sq = st_ref[0, 0:2, :]
    ri = lax.broadcasted_iota(jnp.int32, (_CO, _CO), 0) >> 4
    ci = lax.broadcasted_iota(jnp.int32, (_CO, _CO), 1) >> 4
    G = (ri == ci).astype(jnp.float32)
    sqg = jnp.dot(sq, G, preferred_element_type=jnp.float32)
    count = jnp.float32(16 * _N * _K)
    mean = sqg[0:1, :] / count
    var = sqg[1:2, :] / count - mean * mean
    inv = 1.0 / jnp.sqrt(var + _EPS)
    scale = g_ref[...] * inv
    shift = be_ref[...] - mean * scale
    return scale, shift


def _h0_tile(rows_ref, hf_ref):
    g = rows_ref[0][:, 0:_DO]
    hf = hf_ref[0].T
    h = g.reshape(_TN2, _K, _CO) + hf[:, None, :]
    return h.reshape(_TP, _CO)


def _mlp1_body(rows_ref, hf_ref, st_ref):
    t = pl.program_id(1)
    h2 = _h0_tile(rows_ref, hf_ref)
    s = jnp.sum(h2, axis=0, keepdims=True)
    q = jnp.sum(h2 * h2, axis=0, keepdims=True)
    st = jnp.concatenate([s, q, jnp.zeros((6, _CO), jnp.float32)], axis=0)

    @pl.when(t == 0)
    def _():
        st_ref[0] = st

    @pl.when(t > 0)
    def _():
        st_ref[0] += st


def _mlp1(rows, hft):
    grid = (_B, _N // _TN2)
    return pl.pallas_call(
        _mlp1_body,
        grid=grid,
        in_specs=[
            pl.BlockSpec((1, _TP, _D), lambda b, t: (b, t, 0)),
            pl.BlockSpec((1, _CO, _TN2), lambda b, t: (b, 0, t)),
        ],
        out_specs=pl.BlockSpec((1, 8, _CO), lambda b, t: (b, 0, 0)),
        out_shape=jax.ShapeDtypeStruct((_B, 8, _CO), jnp.float32),
        compiler_params=_CP,
    )(rows, hft)


def _mlp2_body(rows_ref, hf_ref, st_ref, g_ref, be_ref, w1_ref, b1_ref,
               so_ref):
    t = pl.program_id(1)
    scale, shift = _fold(st_ref, g_ref, be_ref)
    h = _h0_tile(rows_ref, hf_ref)
    a = _leaky(h * scale + shift)
    h1 = jnp.dot(a, w1_ref[...], preferred_element_type=jnp.float32) + b1_ref[...]
    s = jnp.sum(h1, axis=0, keepdims=True)
    q = jnp.sum(h1 * h1, axis=0, keepdims=True)
    st = jnp.concatenate([s, q, jnp.zeros((6, _CO), jnp.float32)], axis=0)

    @pl.when(t == 0)
    def _():
        so_ref[0] = st

    @pl.when(t > 0)
    def _():
        so_ref[0] += st


def _mlp2(rows, hft, st0, g0, be0, w1t, b1r):
    grid = (_B, _N // _TN2)
    return pl.pallas_call(
        _mlp2_body,
        grid=grid,
        in_specs=[
            pl.BlockSpec((1, _TP, _D), lambda b, t: (b, t, 0)),
            pl.BlockSpec((1, _CO, _TN2), lambda b, t: (b, 0, t)),
            pl.BlockSpec((1, 8, _CO), lambda b, t: (b, 0, 0)),
            pl.BlockSpec((1, _CO), lambda b, t: (0, 0)),
            pl.BlockSpec((1, _CO), lambda b, t: (0, 0)),
            pl.BlockSpec((_CO, _CO), lambda b, t: (0, 0)),
            pl.BlockSpec((1, _CO), lambda b, t: (0, 0)),
        ],
        out_specs=pl.BlockSpec((1, 8, _CO), lambda b, t: (b, 0, 0)),
        out_shape=jax.ShapeDtypeStruct((_B, 8, _CO), jnp.float32),
        compiler_params=_CP,
    )(rows, hft, st0, g0, be0, w1t, b1r)


def _mlp3_body(rows_ref, hf_ref, st0_ref, g0_ref, be0_ref, w1_ref, b1_ref,
               st1_ref, g1_ref, be1_ref, out_ref):
    scale0, shift0 = _fold(st0_ref, g0_ref, be0_ref)
    scale1, shift1 = _fold(st1_ref, g1_ref, be1_ref)
    h = _h0_tile(rows_ref, hf_ref)
    a = _leaky(h * scale0 + shift0)
    h1 = jnp.dot(a, w1_ref[...], preferred_element_type=jnp.float32) + b1_ref[...]
    a1 = _leaky(h1 * scale1 + shift1)
    a3 = a1.reshape(_TN2, _K, _CO)
    m = jnp.max(a3, axis=1)
    out_ref[0] = m.T


def _mlp3(rows, hft, st0, g0, be0, w1t, b1r, st1, g1, be1):
    grid = (_B, _N // _TN2)
    return pl.pallas_call(
        _mlp3_body,
        grid=grid,
        in_specs=[
            pl.BlockSpec((1, _TP, _D), lambda b, t: (b, t, 0)),
            pl.BlockSpec((1, _CO, _TN2), lambda b, t: (b, 0, t)),
            pl.BlockSpec((1, 8, _CO), lambda b, t: (b, 0, 0)),
            pl.BlockSpec((1, _CO), lambda b, t: (0, 0)),
            pl.BlockSpec((1, _CO), lambda b, t: (0, 0)),
            pl.BlockSpec((_CO, _CO), lambda b, t: (0, 0)),
            pl.BlockSpec((1, _CO), lambda b, t: (0, 0)),
            pl.BlockSpec((1, 8, _CO), lambda b, t: (b, 0, 0)),
            pl.BlockSpec((1, _CO), lambda b, t: (0, 0)),
            pl.BlockSpec((1, _CO), lambda b, t: (0, 0)),
        ],
        out_specs=pl.BlockSpec((1, _CO, _TN2), lambda b, t: (b, 0, t)),
        out_shape=jax.ShapeDtypeStruct((_B, _CO, _N), jnp.float32),
        compiler_params=_CP,
    )(rows, hft, st0, g0, be0, w1t, b1r, st1, g1, be1)



def kernel(xyz1, xyz2, feat1, feat2, W0, b0, g0, be0, W1, b1, g1, be1):
    xyz1t = jnp.transpose(xyz1, (0, 2, 1))
    xyz1p = jnp.concatenate(
        [xyz1, jnp.zeros((_B, 5, _N), jnp.float32)], axis=1)
    xyz2p = jnp.concatenate(
        [xyz2, jnp.zeros((_B, 5, _M), jnp.float32)], axis=1)
    wfa = W0[:, : _C1]
    wfb = jnp.zeros((_CO, 8), jnp.float32)
    wfb = wfb.at[:, :3].set(-W0[:, _C1 + _C2:])
    w2f = W0[:, _C1:_C1 + _C2]
    w2x = jnp.zeros((_CO, 8), jnp.float32)
    w2x = w2x.at[:, :3].set(W0[:, _C1 + _C2:])
    b0c = b0.reshape(_CO, 1)
    w1t = W1.T
    b1r = b1.reshape(1, _CO)
    g0r = g0.reshape(1, _CO)
    be0r = be0.reshape(1, _CO)
    g1r = g1.reshape(1, _CO)
    be1r = be1.reshape(1, _CO)

    fidx, tab, hft = _topk(xyz1t, xyz1p, xyz2p, feat2, feat1,
                           wfa, wfb, w2f, w2x, b0c)
    table = tab.reshape(_B * _M, _D)
    idx3 = fidx.reshape(32, (_B * _NK) // (32 * 128), 128)

    rows = _sc_gather(table, idx3).reshape(_B, _NK, _D)

    st0 = _mlp1(rows, hft)
    st1 = _mlp2(rows, hft, st0, g0r, be0r, w1t, b1r)
    return _mlp3(rows, hft, st0, g0r, be0r, w1t, b1r,
                 st1, g1r, be1r)

# --- scband reference (transcript-rebuilt; emitter-appended) ---
"""Pipeline reference for scband-flow-embedding-88201448391141 (READ-ONLY COPY).

The authoritative reference and input builder live on the scoring server;
editing this copy changes nothing except your own understanding.
"""

import jax, jax.numpy as jnp
import numpy as np

B = 2
N = 2048
M = 2048
IN1 = 64
IN2 = 64
K = 16
MLP = [64, 64]
EPS = 1e-5


def setup_inputs(seed: int = 0) -> dict:
    key = jax.random.key(seed)
    ks = jax.random.split(key, 8)
    xyz1 = jax.random.normal(ks[0], (B, 3, N), dtype=jnp.float32)
    xyz2 = jax.random.normal(ks[1], (B, 3, M), dtype=jnp.float32)
    feat1 = jax.random.normal(ks[2], (B, IN1, N), dtype=jnp.float32)
    feat2 = jax.random.normal(ks[3], (B, IN2, M), dtype=jnp.float32)
    c_in = IN1 + IN2 + 3
    W0 = jax.random.normal(ks[4], (MLP[0], c_in), dtype=jnp.float32) * 0.05
    b0 = jnp.zeros((MLP[0],), dtype=jnp.float32)
    g0 = jnp.ones((MLP[0],), dtype=jnp.float32)
    be0 = jnp.zeros((MLP[0],), dtype=jnp.float32)
    W1 = jax.random.normal(ks[5], (MLP[1], MLP[0]), dtype=jnp.float32) * 0.05
    b1 = jnp.zeros((MLP[1],), dtype=jnp.float32)
    g1 = jnp.ones((MLP[1],), dtype=jnp.float32)
    be1 = jnp.zeros((MLP[1],), dtype=jnp.float32)
    return {"xyz1": xyz1, "xyz2": xyz2, "feat1": feat1, "feat2": feat2,
            "W0": W0, "b0": b0, "g0": g0, "be0": be0,
            "W1": W1, "b1": b1, "g1": g1, "be1": be1}


def _grouping(feat, idx):
    # feat: [B, C, M], idx: [B, N, K] -> [B, C, N, K]
    b = jnp.arange(feat.shape[0])[:, None, None]
    g = feat[b, :, idx]  # [B, N, K, C]
    return jnp.transpose(g, (0, 3, 1, 2))


def _group_norm(x, gamma, beta, groups, eps=EPS):
    b, c, n, k = x.shape
    xg = x.reshape(b, groups, c // groups, n, k)
    mean = jnp.mean(xg, axis=(2, 3, 4), keepdims=True)
    var = jnp.var(xg, axis=(2, 3, 4), keepdims=True)
    xg = (xg - mean) / jnp.sqrt(var + eps)
    x = xg.reshape(b, c, n, k)
    return x * gamma[None, :, None, None] + beta[None, :, None, None]


def _leaky_relu(x):
    return jnp.where(x >= 0, x, 0.1 * x)


def reference(xyz1, xyz2, feat1, feat2, W0, b0, g0, be0, W1, b1, g1, be1):
    # pairwise distances: [B, N, M]
    diff = xyz1[:, :, :, None] - xyz2[:, :, None, :]
    dists = jnp.sqrt(jnp.sum(diff * diff, axis=1))
    # k nearest neighbors (smallest distance)
    _, k_idx = jax.lax.top_k(-dists, K)  # [B, N, K]
    group_xyz = _grouping(xyz2, k_idx) - xyz1[:, :, :, None]   # [B, 3, N, K]
    group_feat = _grouping(feat2, k_idx)                        # [B, IN2, N, K]
    f1 = jnp.broadcast_to(feat1[:, :, :, None], (feat1.shape[0], feat1.shape[1], feat1.shape[2], K))
    new_feat = jnp.concatenate([f1, group_feat, group_xyz], axis=1)  # [B, IN1+IN2+3, N, K]
    for (W, b, g, be) in ((W0, b0, g0, be0), (W1, b1, g1, be1)):
        new_feat = jnp.einsum('oc,bcnk->bonk', W, new_feat) + b[None, :, None, None]
        new_feat = _group_norm(new_feat, g, be, W.shape[0] // 16)
        new_feat = _leaky_relu(new_feat)
    return jnp.max(new_feat, axis=3)

if __name__ == "__main__":
    import jax
    _d = setup_inputs()
    print(jax.jit(kernel)(*tuple(_d.values())))

</pallas_src>

<mosaic_0001>
#map = affine_map<(d0, d1) -> (0, 0)>
#map1 = affine_map<(d0, d1) -> (0, 0, 0)>
module attributes {stable_mosaic.version = 14 : i64} {
  func.func @gk(%arg0: i32, %arg1: i32, %arg2: memref<4096x128xf32, #tpu.memory_space<hbm>>, %arg3: memref<32x16x128xi32, #tpu.memory_space<hbm>>, %arg4: memref<65536x128xf32, #tpu.memory_space<hbm>>, %arg5: memref<16x128xi32, #tpu.memory_space<vmem>>, %arg6: memref<128x128xf32, #tpu.memory_space<vmem>>, %arg7: memref<!tpu.dma_semaphore, #tpu.memory_space<semaphore_mem>>) attributes {dimension_semantics = [#tpu.dimension_semantics<core_parallel>, #tpu.dimension_semantics<subcore_parallel>], iteration_bounds = array<i64: 2, 16>, scalar_prefetch = 0 : i64, scratch_operands = 3 : i64, tpu.core_type = #tpu.core_type<sc_vector_subcore>, window_params = [{transform_indices = #map}, {transform_indices = #map1}, {transform_indices = #map}]} {
    %mul3A = arith.constant 2 : i32
    %mul3A_0 = arith.muli %arg1, %mul3A : i32
    %add3A = arith.addi %mul3A_0, %arg0 : i32
    %mul3A_1 = arith.constant 2048 : i32
    %mul3A_2 = arith.muli %add3A, %mul3A_1 : i32
    "tpu.region"() ({
      %run_scoped3A = tpu.sem_alloc : memref<!tpu.dma_semaphore, #tpu.memory_space<semaphore_mem>>
      %dma_start3A_257 = arith.constant 0 : i32
      %dma_start3A_258 = arith.constant 0 : i32
      %dma_start3A_259 = tpu.memref_slice %arg3[%add3A, %dma_start3A_257, %dma_start3A_258] : memref<32x16x128xi32, #tpu.memory_space<hbm>> -> memref<1x16x128xi32, #tpu.memory_space<hbm>>
      %dma_start3A_260 = tpu.memref_squeeze %dma_start3A_259 : memref<1x16x128xi32, #tpu.memory_space<hbm>> -> memref<16x128xi32, #tpu.memory_space<hbm>>
      %dma_start3A_261 = arith.constant 0 : i32
      %dma_start3A_262 = arith.constant 0 : i32
      %dma_start3A_263 = tpu.memref_slice %arg3[%add3A, %dma_start3A_261, %dma_start3A_262] : memref<32x16x128xi32, #tpu.memory_space<hbm>> -> memref<1x16x128xi32, #tpu.memory_space<hbm>>
      %dma_start3A_264 = tpu.memref_squeeze %dma_start3A_263 : memref<1x16x128xi32, #tpu.memory_space<hbm>> -> memref<16x128xi32, #tpu.memory_space<hbm>>
      tpu.enqueue_dma source(%dma_start3A_264 : memref<16x128xi32, #tpu.memory_space<hbm>>) target(%arg5 : memref<16x128xi32, #tpu.memory_space<vmem>>) target_semaphore(%run_scoped3A : memref<!tpu.dma_semaphore, #tpu.memory_space<semaphore_mem>>)
      %dma_wait3A_265 = arith.constant 0 : i32
      %dma_wait3A_266 = arith.constant 0 : i32
      %dma_wait3A_267 = tpu.memref_slice %arg3[%add3A, %dma_wait3A_265, %dma_wait3A_266] : memref<32x16x128xi32, #tpu.memory_space<hbm>> -> memref<1x16x128xi32, #tpu.memory_space<hbm>>
      %dma_wait3A_268 = tpu.memref_squeeze %dma_wait3A_267 : memref<1x16x128xi32, #tpu.memory_space<hbm>> -> memref<16x128xi32, #tpu.memory_space<hbm>>
      %dma_wait3A_269 = arith.constant 0 : i32
      %dma_wait3A_270 = arith.constant 0 : i32
      %dma_wait3A_271 = tpu.memref_slice %arg3[%add3A, %dma_wait3A_269, %dma_wait3A_270] : memref<32x16x128xi32, #tpu.memory_space<hbm>> -> memref<1x16x128xi32, #tpu.memory_space<hbm>>
      %dma_wait3A_272 = tpu.memref_squeeze %dma_wait3A_271 : memref<1x16x128xi32, #tpu.memory_space<hbm>> -> memref<16x128xi32, #tpu.memory_space<hbm>>
      tpu.wait_dma2 semaphore(%run_scoped3A : memref<!tpu.dma_semaphore, #tpu.memory_space<semaphore_mem>>) src(%dma_wait3A_272 : memref<16x128xi32, #tpu.memory_space<hbm>>) dst(%arg5 : memref<16x128xi32, #tpu.memory_space<vmem>>)
      tpu.yield
    }) : () -> ()
    %dma_start3A = arith.constant 0 : i32
    %dma_start3A_3 = arith.constant 0 : i32
    %dma_start3A_4 = tpu.memref_slice %arg5[%dma_start3A, %dma_start3A_3] : memref<16x128xi32, #tpu.memory_space<vmem>> -> memref<1x128xi32, #tpu.memory_space<vmem>>
    %dma_start3A_5 = tpu.memref_squeeze %dma_start3A_4 : memref<1x128xi32, #tpu.memory_space<vmem>> -> memref<128xi32, #tpu.memory_space<vmem>>
    %dma_start3A_6 = arith.constant 0 : i32
    %dma_start3A_7 = arith.constant 0 : i32
    %dma_start3A_8 = tpu.memref_slice %arg2[%dma_start3A_6, %dma_start3A_7] : memref<4096x128xf32, #tpu.memory_space<hbm>> -> memref<4096x128xf32, #tpu.memory_space<hbm>>
    tpu.enqueue_indirect_dma source(%dma_start3A_8 : memref<4096x128xf32, #tpu.memory_space<hbm>>) target(%arg6 : memref<128x128xf32, #tpu.memory_space<vmem>>) offsets(%dma_start3A_5 : memref<128xi32, #tpu.memory_space<vmem>>) semaphore(%arg7 : memref<!tpu.dma_semaphore, #tpu.memory_space<semaphore_mem>>)
    %dma_wait3A = arith.constant 0 : i32
    %dma_wait3A_9 = arith.constant 0 : i32
    %dma_wait3A_10 = tpu.memref_slice %arg5[%dma_wait3A, %dma_wait3A_9] : memref<16x128xi32, #tpu.memory_space<vmem>> -> memref<1x128xi32, #tpu.memory_space<vmem>>
    %dma_wait3A_11 = tpu.memref_squeeze %dma_wait3A_10 : memref<1x128xi32, #tpu.memory_space<vmem>> -> memref<128xi32, #tpu.memory_space<vmem>>
    %dma_wait3A_12 = arith.constant 0 : i32
    %dma_wait3A_13 = arith.constant 0 : i32
    %dma_wait3A_14 = tpu.memref_slice %arg2[%dma_wait3A_12, %dma_wait3A_13] : memref<4096x128xf32, #tpu.memory_space<hbm>> -> memref<4096x128xf32, #tpu.memory_space<hbm>>
    tpu.wait_indirect_dma semaphore(%arg7 : memref<!tpu.dma_semaphore, #tpu.memory_space<semaphore_mem>>) src(%dma_wait3A_14 : memref<4096x128xf32, #tpu.memory_space<hbm>>) dst(%arg6 : memref<128x128xf32, #tpu.memory_space<vmem>>)
    %add3A_15 = arith.constant 0 : i32
    %add3A_16 = arith.addi %mul3A_2, %add3A_15 : i32
    "tpu.region"() ({
      %run_scoped3A = tpu.sem_alloc : memref<!tpu.dma_semaphore, #tpu.memory_space<semaphore_mem>>
      %dma_start3A_257 = arith.constant 0 : i32
      %dma_start3A_258 = tpu.memref_slice %arg4[%add3A_16, %dma_start3A_257] : memref<65536x128xf32, #tpu.memory_space<hbm>> -> memref<128x128xf32, #tpu.memory_space<hbm>>
      %dma_start3A_259 = arith.constant 0 : i32
      %dma_start3A_260 = tpu.memref_slice %arg4[%add3A_16, %dma_start3A_259] : memref<65536x128xf32, #tpu.memory_space<hbm>> -> memref<128x128xf32, #tpu.memory_space<hbm>>
      tpu.enqueue_dma source(%arg6 : memref<128x128xf32, #tpu.memory_space<vmem>>) target(%dma_start3A_260 : memref<128x128xf32, #tpu.memory_space<hbm>>) target_semaphore(%run_scoped3A : memref<!tpu.dma_semaphore, #tpu.memory_space<semaphore_mem>>)
      %dma_wait3A_261 = arith.constant 0 : i32
      %dma_wait3A_262 = tpu.memref_slice %arg4[%add3A_16, %dma_wait3A_261] : memref<65536x128xf32, #tpu.memory_space<hbm>> -> memref<128x128xf32, #tpu.memory_space<hbm>>
      %dma_wait3A_263 = arith.constant 0 : i32
      %dma_wait3A_264 = tpu.memref_slice %arg4[%add3A_16, %dma_wait3A_263] : memref<65536x128xf32, #tpu.memory_space<hbm>> -> memref<128x128xf32, #tpu.memory_space<hbm>>
      tpu.wait_dma2 semaphore(%run_scoped3A : memref<!tpu.dma_semaphore, #tpu.memory_space<semaphore_mem>>) src(%arg6 : memref<128x128xf32, #tpu.memory_space<vmem>>) dst(%dma_wait3A_264 : memref<128x128xf32, #tpu.memory_space<hbm>>)
      tpu.yield
    }) : () -> ()
    %dma_start3A_17 = arith.constant 1 : i32
    %dma_start3A_18 = arith.constant 0 : i32
    %dma_start3A_19 = tpu.memref_slice %arg5[%dma_start3A_17, %dma_start3A_18] : memref<16x128xi32, #tpu.memory_space<vmem>> -> memref<1x128xi32, #tpu.memory_space<vmem>>
    %dma_start3A_20 = tpu.memref_squeeze %dma_start3A_19 : memref<1x128xi32, #tpu.memory_space<vmem>> -> memref<128xi32, #tpu.memory_space<vmem>>
    %dma_start3A_21 = arith.constant 0 : i32
    %dma_start3A_22 = arith.constant 0 : i32
    %dma_start3A_23 = tpu.memref_slice %arg2[%dma_start3A_21, %dma_start3A_22] : memref<4096x128xf32, #tpu.memory_space<hbm>> -> memref<4096x128xf32, #tpu.memory_space<hbm>>
    tpu.enqueue_indirect_dma source(%dma_start3A_23 : memref<4096x128xf32, #tpu.memory_space<hbm>>) target(%arg6 : memref<128x128xf32, #tpu.memory_space<vmem>>) offsets(%dma_start3A_20 : memref<128xi32, #tpu.memory_space<vmem>>) semaphore(%arg7 : memref<!tpu.dma_semaphore, #tpu.memory_space<semaphore_mem>>)
    %dma_wait3A_24 = arith.constant 1 : i32
    %dma_wait3A_25 = arith.constant 0 : i32
    %dma_wait3A_26 = tpu.memref_slice %arg5[%dma_wait3A_24, %dma_wait3A_25] : memref<16x128xi32, #tpu.memory_space<vmem>> -> memref<1x128xi32, #tpu.memory_space<vmem>>
    %dma_wait3A_27 = tpu.memref_squeeze %dma_wait3A_26 : memref<1x128xi32, #tpu.memory_space<vmem>> -> memref<128xi32, #tpu.memory_space<vmem>>
    %dma_wait3A_28 = arith.constant 0 : i32
    %dma_wait3A_29 = arith.constant 0 : i32
    %dma_wait3A_30 = tpu.memref_slice %arg2[%dma_wait3A_28, %dma_wait3A_29] : memref<4096x128xf32, #tpu.memory_space<hbm>> -> memref<4096x128xf32, #tpu.memory_space<hbm>>
    tpu.wait_indirect_dma semaphore(%arg7 : memref<!tpu.dma_semaphore, #tpu.memory_space<semaphore_mem>>) src(%dma_wait3A_30 : memref<4096x128xf32, #tpu.memory_space<hbm>>) dst(%arg6 : memref<128x128xf32, #tpu.memory_space<vmem>>)
    %add3A_31 = arith.constant 128 : i32
    %add3A_32 = arith.addi %mul3A_2, %add3A_31 : i32
    "tpu.region"() ({
      %run_scoped3A = tpu.sem_alloc : memref<!tpu.dma_semaphore, #tpu.memory_space<semaphore_mem>>
      %dma_start3A_257 = arith.constant 0 : i32
      %dma_start3A_258 = tpu.memref_slice %arg4[%add3A_32, %dma_start3A_257] : memref<65536x128xf32, #tpu.memory_space<hbm>> -> memref<128x128xf32, #tpu.memory_space<hbm>>
      %dma_start3A_259 = arith.constant 0 : i32
      %dma_start3A_260 = tpu.memref_slice %arg4[%add3A_32, %dma_start3A_259] : memref<65536x128xf32, #tpu.memory_space<hbm>> -> memref<128x128xf32, #tpu.memory_space<hbm>>
      tpu.enqueue_dma source(%arg6 : memref<128x128xf32, #tpu.memory_space<vmem>>) target(%dma_start3A_260 : memref<128x128xf32, #tpu.memory_space<hbm>>) target_semaphore(%run_scoped3A : memref<!tpu.dma_semaphore, #tpu.memory_space<semaphore_mem>>)
      %dma_wait3A_261 = arith.constant 0 : i32
      %dma_wait3A_262 = tpu.memref_slice %arg4[%add3A_32, %dma_wait3A_261] : memref<65536x128xf32, #tpu.memory_space<hbm>> -> memref<128x128xf32, #tpu.memory_space<hbm>>
      %dma_wait3A_263 = arith.constant 0 : i32
      %dma_wait3A_264 = tpu.memref_slice %arg4[%add3A_32, %dma_wait3A_263] : memref<65536x128xf32, #tpu.memory_space<hbm>> -> memref<128x128xf32, #tpu.memory_space<hbm>>
      tpu.wait_dma2 semaphore(%run_scoped3A : memref<!tpu.dma_semaphore, #tpu.memory_space<semaphore_mem>>) src(%arg6 : memref<128x128xf32, #tpu.memory_space<vmem>>) dst(%dma_wait3A_264 : memref<128x128xf32, #tpu.memory_space<hbm>>)
      tpu.yield
    }) : () -> ()
    %dma_start3A_33 = arith.constant 2 : i32
    %dma_start3A_34 = arith.constant 0 : i32
    %dma_start3A_35 = tpu.memref_slice %arg5[%dma_start3A_33, %dma_start3A_34] : memref<16x128xi32, #tpu.memory_space<vmem>> -> memref<1x128xi32, #tpu.memory_space<vmem>>
    %dma_start3A_36 = tpu.memref_squeeze %dma_start3A_35 : memref<1x128xi32, #tpu.memory_space<vmem>> -> memref<128xi32, #tpu.memory_space<vmem>>
    %dma_start3A_37 = arith.constant 0 : i32
    %dma_start3A_38 = arith.constant 0 : i32
    %dma_start3A_39 = tpu.memref_slice %arg2[%dma_start3A_37, %dma_start3A_38] : memref<4096x128xf32, #tpu.memory_space<hbm>> -> memref<4096x128xf32, #tpu.memory_space<hbm>>
    tpu.enqueue_indirect_dma source(%dma_start3A_39 : memref<4096x128xf32, #tpu.memory_space<hbm>>) target(%arg6 : memref<128x128xf32, #tpu.memory_space<vmem>>) offsets(%dma_start3A_36 : memref<128xi32, #tpu.memory_space<vmem>>) semaphore(%arg7 : memref<!tpu.dma_semaphore, #tpu.memory_space<semaphore_mem>>)
    %dma_wait3A_40 = arith.constant 2 : i32
    %dma_wait3A_41 = arith.constant 0 : i32
    %dma_wait3A_42 = tpu.memref_slice %arg5[%dma_wait3A_40, %dma_wait3A_41] : memref<16x128xi32, #tpu.memory_space<vmem>> -> memref<1x128xi32, #tpu.memory_space<vmem>>
    %dma_wait3A_43 = tpu.memref_squeeze %dma_wait3A_42 : memref<1x128xi32, #tpu.memory_space<vmem>> -> memref<128xi32, #tpu.memory_space<vmem>>
    %dma_wait3A_44 = arith.constant 0 : i32
    %dma_wait3A_45 = arith.constant 0 : i32
    %dma_wait3A_46 = tpu.memref_slice %arg2[%dma_wait3A_44, %dma_wait3A_45] : memref<4096x128xf32, #tpu.memory_space<hbm>> -> memref<4096x128xf32, #tpu.memory_space<hbm>>
    tpu.wait_indirect_dma semaphore(%arg7 : memref<!tpu.dma_semaphore, #tpu.memory_space<semaphore_mem>>) src(%dma_wait3A_46 : memref<4096x128xf32, #tpu.memory_space<hbm>>) dst(%arg6 : memref<128x128xf32, #tpu.memory_space<vmem>>)
    %add3A_47 = arith.constant 256 : i32
    %add3A_48 = arith.addi %mul3A_2, %add3A_47 : i32
    "tpu.region"() ({
      %run_scoped3A = tpu.sem_alloc : memref<!tpu.dma_semaphore, #tpu.memory_space<semaphore_mem>>
      %dma_start3A_257 = arith.constant 0 : i32
      %dma_start3A_258 = tpu.memref_slice %arg4[%add3A_48, %dma_start3A_257] : memref<65536x128xf32, #tpu.memory_space<hbm>> -> memref<128x128xf32, #tpu.memory_space<hbm>>
      %dma_start3A_259 = arith.constant 0 : i32
      %dma_start3A_260 = tpu.memref_slice %arg4[%add3A_48, %dma_start3A_259] : memref<65536x128xf32, #tpu.memory_space<hbm>> -> memref<128x128xf32, #tpu.memory_space<hbm>>
      tpu.enqueue_dma source(%arg6 : memref<128x128xf32, #tpu.memory_space<vmem>>) target(%dma_start3A_260 : memref<128x128xf32, #tpu.memory_space<hbm>>) target_semaphore(%run_scoped3A : memref<!tpu.dma_semaphore, #tpu.memory_space<semaphore_mem>>)
      %dma_wait3A_261 = arith.constant 0 : i32
      %dma_wait3A_262 = tpu.memref_slice %arg4[%add3A_48, %dma_wait3A_261] : memref<65536x128xf32, #tpu.memory_space<hbm>> -> memref<128x128xf32, #tpu.memory_space<hbm>>
      %dma_wait3A_263 = arith.constant 0 : i32
      %dma_wait3A_264 = tpu.memref_slice %arg4[%add3A_48, %dma_wait3A_263] : memref<65536x128xf32, #tpu.memory_space<hbm>> -> memref<128x128xf32, #tpu.memory_space<hbm>>
      tpu.wait_dma2 semaphore(%run_scoped3A : memref<!tpu.dma_semaphore, #tpu.memory_space<semaphore_mem>>) src(%arg6 : memref<128x128xf32, #tpu.memory_space<vmem>>) dst(%dma_wait3A_264 : memref<128x128xf32, #tpu.memory_space<hbm>>)
      tpu.yield
    }) : () -> ()
    %dma_start3A_49 = arith.constant 3 : i32
    %dma_start3A_50 = arith.constant 0 : i32
    %dma_start3A_51 = tpu.memref_slice %arg5[%dma_start3A_49, %dma_start3A_50] : memref<16x128xi32, #tpu.memory_space<vmem>> -> memref<1x128xi32, #tpu.memory_space<vmem>>
    %dma_start3A_52 = tpu.memref_squeeze %dma_start3A_51 : memref<1x128xi32, #tpu.memory_space<vmem>> -> memref<128xi32, #tpu.memory_space<vmem>>
    %dma_start3A_53 = arith.constant 0 : i32
    %dma_start3A_54 = arith.constant 0 : i32
    %dma_start3A_55 = tpu.memref_slice %arg2[%dma_start3A_53, %dma_start3A_54] : memref<4096x128xf32, #tpu.memory_space<hbm>> -> memref<4096x128xf32, #tpu.memory_space<hbm>>
    tpu.enqueue_indirect_dma source(%dma_start3A_55 : memref<4096x128xf32, #tpu.memory_space<hbm>>) target(%arg6 : memref<128x128xf32, #tpu.memory_space<vmem>>) offsets(%dma_start3A_52 : memref<128xi32, #tpu.memory_space<vmem>>) semaphore(%arg7 : memref<!tpu.dma_semaphore, #tpu.memory_space<semaphore_mem>>)
    %dma_wait3A_56 = arith.constant 3 : i32
    %dma_wait3A_57 = arith.constant 0 : i32
    %dma_wait3A_58 = tpu.memref_slice %arg5[%dma_wait3A_56, %dma_wait3A_57] : memref<16x128xi32, #tpu.memory_space<vmem>> -> memref<1x128xi32, #tpu.memory_space<vmem>>
    %dma_wait3A_59 = tpu.memref_squeeze %dma_wait3A_58 : memref<1x128xi32, #tpu.memory_space<vmem>> -> memref<128xi32, #tpu.memory_space<vmem>>
    %dma_wait3A_60 = arith.constant 0 : i32
    %dma_wait3A_61 = arith.constant 0 : i32
    %dma_wait3A_62 = tpu.memref_slice %arg2[%dma_wait3A_60, %dma_wait3A_61] : memref<4096x128xf32, #tpu.memory_space<hbm>> -> memref<4096x128xf32, #tpu.memory_space<hbm>>
    tpu.wait_indirect_dma semaphore(%arg7 : memref<!tpu.dma_semaphore, #tpu.memory_space<semaphore_mem>>) src(%dma_wait3A_62 : memref<4096x128xf32, #tpu.memory_space<hbm>>) dst(%arg6 : memref<128x128xf32, #tpu.memory_space<vmem>>)
    %add3A_63 = arith.constant 384 : i32
    %add3A_64 = arith.addi %mul3A_2, %add3A_63 : i32
    "tpu.region"() ({
      %run_scoped3A = tpu.sem_alloc : memref<!tpu.dma_semaphore, #tpu.memory_space<semaphore_mem>>
      %dma_start3A_257 = arith.constant 0 : i32
      %dma_start3A_258 = tpu.memref_slice %arg4[%add3A_64, %dma_start3A_257] : memref<65536x128xf32, #tpu.memory_space<hbm>> -> memref<128x128xf32, #tpu.memory_space<hbm>>
      %dma_start3A_259 = arith.constant 0 : i32
      %dma_start3A_260 = tpu.memref_slice %arg4[%add3A_64, %dma_start3A_259] : memref<65536x128xf32, #tpu.memory_space<hbm>> -> memref<128x128xf32, #tpu.memory_space<hbm>>
      tpu.enqueue_dma source(%arg6 : memref<128x128xf32, #tpu.memory_space<vmem>>) target(%dma_start3A_260 : memref<128x128xf32, #tpu.memory_space<hbm>>) target_semaphore(%run_scoped3A : memref<!tpu.dma_semaphore, #tpu.memory_space<semaphore_mem>>)
      %dma_wait3A_261 = arith.constant 0 : i32
      %dma_wait3A_262 = tpu.memref_slice %arg4[%add3A_64, %dma_wait3A_261] : memref<65536x128xf32, #tpu.memory_space<hbm>> -> memref<128x128xf32, #tpu.memory_space<hbm>>
      %dma_wait3A_263 = arith.constant 0 : i32
      %dma_wait3A_264 = tpu.memref_slice %arg4[%add3A_64, %dma_wait3A_263] : memref<65536x128xf32, #tpu.memory_space<hbm>> -> memref<128x128xf32, #tpu.memory_space<hbm>>
      tpu.wait_dma2 semaphore(%run_scoped3A : memref<!tpu.dma_semaphore, #tpu.memory_space<semaphore_mem>>) src(%arg6 : memref<128x128xf32, #tpu.memory_space<vmem>>) dst(%dma_wait3A_264 : memref<128x128xf32, #tpu.memory_space<hbm>>)
      tpu.yield
    }) : () -> ()
    %dma_start3A_65 = arith.constant 4 : i32
    %dma_start3A_66 = arith.constant 0 : i32
    %dma_start3A_67 = tpu.memref_slice %arg5[%dma_start3A_65, %dma_start3A_66] : memref<16x128xi32, #tpu.memory_space<vmem>> -> memref<1x128xi32, #tpu.memory_space<vmem>>
    %dma_start3A_68 = tpu.memref_squeeze %dma_start3A_67 : memref<1x128xi32, #tpu.memory_space<vmem>> -> memref<128xi32, #tpu.memory_space<vmem>>
    %dma_start3A_69 = arith.constant 0 : i32
    %dma_start3A_70 = arith.constant 0 : i32
    %dma_start3A_71 = tpu.memref_slice %arg2[%dma_start3A_69, %dma_start3A_70] : memref<4096x128xf32, #tpu.memory_space<hbm>> -> memref<4096x128xf32, #tpu.memory_space<hbm>>
    tpu.enqueue_indirect_dma source(%dma_start3A_71 : memref<4096x128xf32, #tpu.memory_space<hbm>>) target(%arg6 : memref<128x128xf32, #tpu.memory_space<vmem>>) offsets(%dma_start3A_68 : memref<128xi32, #tpu.memory_space<vmem>>) semaphore(%arg7 : memref<!tpu.dma_semaphore, #tpu.memory_space<semaphore_mem>>)
    %dma_wait3A_72 = arith.constant 4 : i32
    %dma_wait3A_73 = arith.constant 0 : i32
    %dma_wait3A_74 = tpu.memref_slice %arg5[%dma_wait3A_72, %dma_wait3A_73] : memref<16x128xi32, #tpu.memory_space<vmem>> -> memref<1x128xi32, #tpu.memory_space<vmem>>
    %dma_wait3A_75 = tpu.memref_squeeze %dma_wait3A_74 : memref<1x128xi32, #tpu.memory_space<vmem>> -> memref<128xi32, #tpu.memory_space<vmem>>
    %dma_wait3A_76 = arith.constant 0 : i32
    %dma_wait3A_77 = arith.constant 0 : i32
    %dma_wait3A_78 = tpu.memref_slice %arg2[%dma_wait3A_76, %dma_wait3A_77] : memref<4096x128xf32, #tpu.memory_space<hbm>> -> memref<4096x128xf32, #tpu.memory_space<hbm>>
    tpu.wait_indirect_dma semaphore(%arg7 : memref<!tpu.dma_semaphore, #tpu.memory_space<semaphore_mem>>) src(%dma_wait3A_78 : memref<4096x128xf32, #tpu.memory_space<hbm>>) dst(%arg6 : memref<128x128xf32, #tpu.memory_space<vmem>>)
    %add3A_79 = arith.constant 512 : i32
    %add3A_80 = arith.addi %mul3A_2, %add3A_79 : i32
    "tpu.region"() ({
      %run_scoped3A = tpu.sem_alloc : memref<!tpu.dma_semaphore, #tpu.memory_space<semaphore_mem>>
      %dma_start3A_257 = arith.constant 0 : i32
      %dma_start3A_258 = tpu.memref_slice %arg4[%add3A_80, %dma_start3A_257] : memref<65536x128xf32, #tpu.memory_space<hbm>> -> memref<128x128xf32, #tpu.memory_space<hbm>>
      %dma_start3A_259 = arith.constant 0 : i32
      %dma_start3A_260 = tpu.memref_slice %arg4[%add3A_80, %dma_start3A_259] : memref<65536x128xf32, #tpu.memory_space<hbm>> -> memref<128x128xf32, #tpu.memory_space<hbm>>
      tpu.enqueue_dma source(%arg6 : memref<128x128xf32, #tpu.memory_space<vmem>>) target(%dma_start3A_260 : memref<128x128xf32, #tpu.memory_space<hbm>>) target_semaphore(%run_scoped3A : memref<!tpu.dma_semaphore, #tpu.memory_space<semaphore_mem>>)
      %dma_wait3A_261 = arith.constant 0 : i32
      %dma_wait3A_262 = tpu.memref_slice %arg4[%add3A_80, %dma_wait3A_261] : memref<65536x128xf32, #tpu.memory_space<hbm>> -> memref<128x128xf32, #tpu.memory_space<hbm>>
      %dma_wait3A_263 = arith.constant 0 : i32
      %dma_wait3A_264 = tpu.memref_slice %arg4[%add3A_80, %dma_wait3A_263] : memref<65536x128xf32, #tpu.memory_space<hbm>> -> memref<128x128xf32, #tpu.memory_space<hbm>>
      tpu.wait_dma2 semaphore(%run_scoped3A : memref<!tpu.dma_semaphore, #tpu.memory_space<semaphore_mem>>) src(%arg6 : memref<128x128xf32, #tpu.memory_space<vmem>>) dst(%dma_wait3A_264 : memref<128x128xf32, #tpu.memory_space<hbm>>)
      tpu.yield
    }) : () -> ()
    %dma_start3A_81 = arith.constant 5 : i32
    %dma_start3A_82 = arith.constant 0 : i32
    %dma_start3A_83 = tpu.memref_slice %arg5[%dma_start3A_81, %dma_start3A_82] : memref<16x128xi32, #tpu.memory_space<vmem>> -> memref<1x128xi32, #tpu.memory_space<vmem>>
    %dma_start3A_84 = tpu.memref_squeeze %dma_start3A_83 : memref<1x128xi32, #tpu.memory_space<vmem>> -> memref<128xi32, #tpu.memory_space<vmem>>
    %dma_start3A_85 = arith.constant 0 : i32
    %dma_start3A_86 = arith.constant 0 : i32
    %dma_start3A_87 = tpu.memref_slice %arg2[%dma_start3A_85, %dma_start3A_86] : memref<4096x128xf32, #tpu.memory_space<hbm>> -> memref<4096x128xf32, #tpu.memory_space<hbm>>
    tpu.enqueue_indirect_dma source(%dma_start3A_87 : memref<4096x128xf32, #tpu.memory_space<hbm>>) target(%arg6 : memref<128x128xf32, #tpu.memory_space<vmem>>) offsets(%dma_start3A_84 : memref<128xi32, #tpu.memory_space<vmem>>) semaphore(%arg7 : memref<!tpu.dma_semaphore, #tpu.memory_space<semaphore_mem>>)
    %dma_wait3A_88 = arith.constant 5 : i32
    %dma_wait3A_89 = arith.constant 0 : i32
    %dma_wait3A_90 = tpu.memref_slice %arg5[%dma_wait3A_88, %dma_wait3A_89] : memref<16x128xi32, #tpu.memory_space<vmem>> -> memref<1x128xi32, #tpu.memory_space<vmem>>
    %dma_wait3A_91 = tpu.memref_squeeze %dma_wait3A_90 : memref<1x128xi32, #tpu.memory_space<vmem>> -> memref<128xi32, #tpu.memory_space<vmem>>
    %dma_wait3A_92 = arith.constant 0 : i32
    %dma_wait3A_93 = arith.constant 0 : i32
    %dma_wait3A_94 = tpu.memref_slice %arg2[%dma_wait3A_92, %dma_wait3A_93] : memref<4096x128xf32, #tpu.memory_space<hbm>> -> memref<4096x128xf32, #tpu.memory_space<hbm>>
    tpu.wait_indirect_dma semaphore(%arg7 : memref<!tpu.dma_semaphore, #tpu.memory_space<semaphore_mem>>) src(%dma_wait3A_94 : memref<4096x128xf32, #tpu.memory_space<hbm>>) dst(%arg6 : memref<128x128xf32, #tpu.memory_space<vmem>>)
    %add3A_95 = arith.constant 640 : i32
    %add3A_96 = arith.addi %mul3A_2, %add3A_95 : i32
    "tpu.region"() ({
      %run_scoped3A = tpu.sem_alloc : memref<!tpu.dma_semaphore, #tpu.memory_space<semaphore_mem>>
      %dma_start3A_257 = arith.constant 0 : i32
      %dma_start3A_258 = tpu.memref_slice %arg4[%add3A_96, %dma_start3A_257] : memref<65536x128xf32, #tpu.memory_space<hbm>> -> memref<128x128xf32, #tpu.memory_space<hbm>>
      %dma_start3A_259 = arith.constant 0 : i32
      %dma_start3A_260 = tpu.memref_slice %arg4[%add3A_96, %dma_start3A_259] : memref<65536x128xf32, #tpu.memory_space<hbm>> -> memref<128x128xf32, #tpu.memory_space<hbm>>
      tpu.enqueue_dma source(%arg6 : memref<128x128xf32, #tpu.memory_space<vmem>>) target(%dma_start3A_260 : memref<128x128xf32, #tpu.memory_space<hbm>>) target_semaphore(%run_scoped3A : memref<!tpu.dma_semaphore, #tpu.memory_space<semaphore_mem>>)
      %dma_wait3A_261 = arith.constant 0 : i32
      %dma_wait3A_262 = tpu.memref_slice %arg4[%add3A_96, %dma_wait3A_261] : memref<65536x128xf32, #tpu.memory_space<hbm>> -> memref<128x128xf32, #tpu.memory_space<hbm>>
      %dma_wait3A_263 = arith.constant 0 : i32
      %dma_wait3A_264 = tpu.memref_slice %arg4[%add3A_96, %dma_wait3A_263] : memref<65536x128xf32, #tpu.memory_space<hbm>> -> memref<128x128xf32, #tpu.memory_space<hbm>>
      tpu.wait_dma2 semaphore(%run_scoped3A : memref<!tpu.dma_semaphore, #tpu.memory_space<semaphore_mem>>) src(%arg6 : memref<128x128xf32, #tpu.memory_space<vmem>>) dst(%dma_wait3A_264 : memref<128x128xf32, #tpu.memory_space<hbm>>)
      tpu.yield
    }) : () -> ()
    %dma_start3A_97 = arith.constant 6 : i32
    %dma_start3A_98 = arith.constant 0 : i32
    %dma_start3A_99 = tpu.memref_slice %arg5[%dma_start3A_97, %dma_start3A_98] : memref<16x128xi32, #tpu.memory_space<vmem>> -> memref<1x128xi32, #tpu.memory_space<vmem>>
    %dma_start3A_100 = tpu.memref_squeeze %dma_start3A_99 : memref<1x128xi32, #tpu.memory_space<vmem>> -> memref<128xi32, #tpu.memory_space<vmem>>
    %dma_start3A_101 = arith.constant 0 : i32
    %dma_start3A_102 = arith.constant 0 : i32
    %dma_start3A_103 = tpu.memref_slice %arg2[%dma_start3A_101, %dma_start3A_102] : memref<4096x128xf32, #tpu.memory_space<hbm>> -> memref<4096x128xf32, #tpu.memory_space<hbm>>
    tpu.enqueue_indirect_dma source(%dma_start3A_103 : memref<4096x128xf32, #tpu.memory_space<hbm>>) target(%arg6 : memref<128x128xf32, #tpu.memory_space<vmem>>) offsets(%dma_start3A_100 : memref<128xi32, #tpu.memory_space<vmem>>) semaphore(%arg7 : memref<!tpu.dma_semaphore, #tpu.memory_space<semaphore_mem>>)
    %dma_wait3A_104 = arith.constant 6 : i32
    %dma_wait3A_105 = arith.constant 0 : i32
    %dma_wait3A_106 = tpu.memref_slice %arg5[%dma_wait3A_104, %dma_wait3A_105] : memref<16x128xi32, #tpu.memory_space<vmem>> -> memref<1x128xi32, #tpu.memory_space<vmem>>
    %dma_wait3A_107 = tpu.memref_squeeze %dma_wait3A_106 : memref<1x128xi32, #tpu.memory_space<vmem>> -> memref<128xi32, #tpu.memory_space<vmem>>
    %dma_wait3A_108 = arith.constant 0 : i32
    %dma_wait3A_109 = arith.constant 0 : i32
    %dma_wait3A_110 = tpu.memref_slice %arg2[%dma_wait3A_108, %dma_wait3A_109] : memref<4096x128xf32, #tpu.memory_space<hbm>> -> memref<4096x128xf32, #tpu.memory_space<hbm>>
    tpu.wait_indirect_dma semaphore(%arg7 : memref<!tpu.dma_semaphore, #tpu.memory_space<semaphore_mem>>) src(%dma_wait3A_110 : memref<4096x128xf32, #tpu.memory_space<hbm>>) dst(%arg6 : memref<128x128xf32, #tpu.memory_space<vmem>>)
    %add3A_111 = arith.constant 768 : i32
    %add3A_112 = arith.addi %mul3A_2, %add3A_111 : i32
    "tpu.region"() ({
      %run_scoped3A = tpu.sem_alloc : memref<!tpu.dma_semaphore, #tpu.memory_space<semaphore_mem>>
      %dma_start3A_257 = arith.constant 0 : i32
      %dma_start3A_258 = tpu.memref_slice %arg4[%add3A_112, %dma_start3A_257] : memref<65536x128xf32, #tpu.memory_space<hbm>> -> memref<128x128xf32, #tpu.memory_space<hbm>>
      %dma_start3A_259 = arith.constant 0 : i32
      %dma_start3A_260 = tpu.memref_slice %arg4[%add3A_112, %dma_start3A_259] : memref<65536x128xf32, #tpu.memory_space<hbm>> -> memref<128x128xf32, #tpu.memory_space<hbm>>
      tpu.enqueue_dma source(%arg6 : memref<128x128xf32, #tpu.memory_space<vmem>>) target(%dma_start3A_260 : memref<128x128xf32, #tpu.memory_space<hbm>>) target_semaphore(%run_scoped3A : memref<!tpu.dma_semaphore, #tpu.memory_space<semaphore_mem>>)
      %dma_wait3A_261 = arith.constant 0 : i32
      %dma_wait3A_262 = tpu.memref_slice %arg4[%add3A_112, %dma_wait3A_261] : memref<65536x128xf32, #tpu.memory_space<hbm>> -> memref<128x128xf32, #tpu.memory_space<hbm>>
      %dma_wait3A_263 = arith.constant 0 : i32
      %dma_wait3A_264 = tpu.memref_slice %arg4[%add3A_112, %dma_wait3A_263] : memref<65536x128xf32, #tpu.memory_space<hbm>> -> memref<128x128xf32, #tpu.memory_space<hbm>>
      tpu.wait_dma2 semaphore(%run_scoped3A : memref<!tpu.dma_semaphore, #tpu.memory_space<semaphore_mem>>) src(%arg6 : memref<128x128xf32, #tpu.memory_space<vmem>>) dst(%dma_wait3A_264 : memref<128x128xf32, #tpu.memory_space<hbm>>)
      tpu.yield
    }) : () -> ()
    %dma_start3A_113 = arith.constant 7 : i32
    %dma_start3A_114 = arith.constant 0 : i32
    %dma_start3A_115 = tpu.memref_slice %arg5[%dma_start3A_113, %dma_start3A_114] : memref<16x128xi32, #tpu.memory_space<vmem>> -> memref<1x128xi32, #tpu.memory_space<vmem>>
    %dma_start3A_116 = tpu.memref_squeeze %dma_start3A_115 : memref<1x128xi32, #tpu.memory_space<vmem>> -> memref<128xi32, #tpu.memory_space<vmem>>
    %dma_start3A_117 = arith.constant 0 : i32
    %dma_start3A_118 = arith.constant 0 : i32
    %dma_start3A_119 = tpu.memref_slice %arg2[%dma_start3A_117, %dma_start3A_118] : memref<4096x128xf32, #tpu.memory_space<hbm>> -> memref<4096x128xf32, #tpu.memory_space<hbm>>
    tpu.enqueue_indirect_dma source(%dma_start3A_119 : memref<4096x128xf32, #tpu.memory_space<hbm>>) target(%arg6 : memref<128x128xf32, #tpu.memory_space<vmem>>) offsets(%dma_start3A_116 : memref<128xi32, #tpu.memory_space<vmem>>) semaphore(%arg7 : memref<!tpu.dma_semaphore, #tpu.memory_space<semaphore_mem>>)
    %dma_wait3A_120 = arith.constant 7 : i32
    %dma_wait3A_121 = arith.constant 0 : i32
    %dma_wait3A_122 = tpu.memref_slice %arg5[%dma_wait3A_120, %dma_wait3A_121] : memref<16x128xi32, #tpu.memory_space<vmem>> -> memref<1x128xi32, #tpu.memory_space<vmem>>
    %dma_wait3A_123 = tpu.memref_squeeze %dma_wait3A_122 : memref<1x128xi32, #tpu.memory_space<vmem>> -> memref<128xi32, #tpu.memory_space<vmem>>
    %dma_wait3A_124 = arith.constant 0 : i32
    %dma_wait3A_125 = arith.constant 0 : i32
    %dma_wait3A_126 = tpu.memref_slice %arg2[%dma_wait3A_124, %dma_wait3A_125] : memref<4096x128xf32, #tpu.memory_space<hbm>> -> memref<4096x128xf32, #tpu.memory_space<hbm>>
    tpu.wait_indirect_dma semaphore(%arg7 : memref<!tpu.dma_semaphore, #tpu.memory_space<semaphore_mem>>) src(%dma_wait3A_126 : memref<4096x128xf32, #tpu.memory_space<hbm>>) dst(%arg6 : memref<128x128xf32, #tpu.memory_space<vmem>>)
    %add3A_127 = arith.constant 896 : i32
    %add3A_128 = arith.addi %mul3A_2, %add3A_127 : i32
    "tpu.region"() ({
      %run_scoped3A = tpu.sem_alloc : memref<!tpu.dma_semaphore, #tpu.memory_space<semaphore_mem>>
      %dma_start3A_257 = arith.constant 0 : i32
      %dma_start3A_258 = tpu.memref_slice %arg4[%add3A_128, %dma_start3A_257] : memref<65536x128xf32, #tpu.memory_space<hbm>> -> memref<128x128xf32, #tpu.memory_space<hbm>>
      %dma_start3A_259 = arith.constant 0 : i32
      %dma_start3A_260 = tpu.memref_slice %arg4[%add3A_128, %dma_start3A_259] : memref<65536x128xf32, #tpu.memory_space<hbm>> -> memref<128x128xf32, #tpu.memory_space<hbm>>
      tpu.enqueue_dma source(%arg6 : memref<128x128xf32, #tpu.memory_space<vmem>>) target(%dma_start3A_260 : memref<128x128xf32, #tpu.memory_space<hbm>>) target_semaphore(%run_scoped3A : memref<!tpu.dma_semaphore, #tpu.memory_space<semaphore_mem>>)
      %dma_wait3A_261 = arith.constant 0 : i32
      %dma_wait3A_262 = tpu.memref_slice %arg4[%add3A_128, %dma_wait3A_261] : memref<65536x128xf32, #tpu.memory_space<hbm>> -> memref<128x128xf32, #tpu.memory_space<hbm>>
      %dma_wait3A_263 = arith.constant 0 : i32
      %dma_wait3A_264 = tpu.memref_slice %arg4[%add3A_128, %dma_wait3A_263] : memref<65536x128xf32, #tpu.memory_space<hbm>> -> memref<128x128xf32, #tpu.memory_space<hbm>>
      tpu.wait_dma2 semaphore(%run_scoped3A : memref<!tpu.dma_semaphore, #tpu.memory_space<semaphore_mem>>) src(%arg6 : memref<128x128xf32, #tpu.memory_space<vmem>>) dst(%dma_wait3A_264 : memref<128x128xf32, #tpu.memory_space<hbm>>)
      tpu.yield
    }) : () -> ()
    %dma_start3A_129 = arith.constant 8 : i32
    %dma_start3A_130 = arith.constant 0 : i32
    %dma_start3A_131 = tpu.memref_slice %arg5[%dma_start3A_129, %dma_start3A_130] : memref<16x128xi32, #tpu.memory_space<vmem>> -> memref<1x128xi32, #tpu.memory_space<vmem>>
    %dma_start3A_132 = tpu.memref_squeeze %dma_start3A_131 : memref<1x128xi32, #tpu.memory_space<vmem>> -> memref<128xi32, #tpu.memory_space<vmem>>
    %dma_start3A_133 = arith.constant 0 : i32
    %dma_start3A_134 = arith.constant 0 : i32
    %dma_start3A_135 = tpu.memref_slice %arg2[%dma_start3A_133, %dma_start3A_134] : memref<4096x128xf32, #tpu.memory_space<hbm>> -> memref<4096x128xf32, #tpu.memory_space<hbm>>
    tpu.enqueue_indirect_dma source(%dma_start3A_135 : memref<4096x128xf32, #tpu.memory_space<hbm>>) target(%arg6 : memref<128x128xf32, #tpu.memory_space<vmem>>) offsets(%dma_start3A_132 : memref<128xi32, #tpu.memory_space<vmem>>) semaphore(%arg7 : memref<!tpu.dma_semaphore, #tpu.memory_space<semaphore_mem>>)
    %dma_wait3A_136 = arith.constant 8 : i32
    %dma_wait3A_137 = arith.constant 0 : i32
    %dma_wait3A_138 = tpu.memref_slice %arg5[%dma_wait3A_136, %dma_wait3A_137] : memref<16x128xi32, #tpu.memory_space<vmem>> -> memref<1x128xi32, #tpu.memory_space<vmem>>
    %dma_wait3A_139 = tpu.memref_squeeze %dma_wait3A_138 : memref<1x128xi32, #tpu.memory_space<vmem>> -> memref<128xi32, #tpu.memory_space<vmem>>
    %dma_wait3A_140 = arith.constant 0 : i32
    %dma_wait3A_141 = arith.constant 0 : i32
    %dma_wait3A_142 = tpu.memref_slice %arg2[%dma_wait3A_140, %dma_wait3A_141] : memref<4096x128xf32, #tpu.memory_space<hbm>> -> memref<4096x128xf32, #tpu.memory_space<hbm>>
    tpu.wait_indirect_dma semaphore(%arg7 : memref<!tpu.dma_semaphore, #tpu.memory_space<semaphore_mem>>) src(%dma_wait3A_142 : memref<4096x128xf32, #tpu.memory_space<hbm>>) dst(%arg6 : memref<128x128xf32, #tpu.memory_space<vmem>>)
    %add3A_143 = arith.constant 1024 : i32
    %add3A_144 = arith.addi %mul3A_2, %add3A_143 : i32
    "tpu.region"() ({
      %run_scoped3A = tpu.sem_alloc : memref<!tpu.dma_semaphore, #tpu.memory_space<semaphore_mem>>
      %dma_start3A_257 = arith.constant 0 : i32
      %dma_start3A_258 = tpu.memref_slice %arg4[%add3A_144, %dma_start3A_257] : memref<65536x128xf32, #tpu.memory_space<hbm>> -> memref<128x128xf32, #tpu.memory_space<hbm>>
      %dma_start3A_259 = arith.constant 0 : i32
      %dma_start3A_260 = tpu.memref_slice %arg4[%add3A_144, %dma_start3A_259] : memref<65536x128xf32, #tpu.memory_space<hbm>> -> memref<128x128xf32, #tpu.memory_space<hbm>>
      tpu.enqueue_dma source(%arg6 : memref<128x128xf32, #tpu.memory_space<vmem>>) target(%dma_start3A_260 : memref<128x128xf32, #tpu.memory_space<hbm>>) target_semaphore(%run_scoped3A : memref<!tpu.dma_semaphore, #tpu.memory_space<semaphore_mem>>)
      %dma_wait3A_261 = arith.constant 0 : i32
      %dma_wait3A_262 = tpu.memref_slice %arg4[%add3A_144, %dma_wait3A_261] : memref<65536x128xf32, #tpu.memory_space<hbm>> -> memref<128x128xf32, #tpu.memory_space<hbm>>
      %dma_wait3A_263 = arith.constant 0 : i32
      %dma_wait3A_264 = tpu.memref_slice %arg4[%add3A_144, %dma_wait3A_263] : memref<65536x128xf32, #tpu.memory_space<hbm>> -> memref<128x128xf32, #tpu.memory_space<hbm>>
      tpu.wait_dma2 semaphore(%run_scoped3A : memref<!tpu.dma_semaphore, #tpu.memory_space<semaphore_mem>>) src(%arg6 : memref<128x128xf32, #tpu.memory_space<vmem>>) dst(%dma_wait3A_264 : memref<128x128xf32, #tpu.memory_space<hbm>>)
      tpu.yield
    }) : () -> ()
    %dma_start3A_145 = arith.constant 9 : i32
    %dma_start3A_146 = arith.constant 0 : i32
    %dma_start3A_147 = tpu.memref_slice %arg5[%dma_start3A_145, %dma_start3A_146] : memref<16x128xi32, #tpu.memory_space<vmem>> -> memref<1x128xi32, #tpu.memory_space<vmem>>
    %dma_start3A_148 = tpu.memref_squeeze %dma_start3A_147 : memref<1x128xi32, #tpu.memory_space<vmem>> -> memref<128xi32, #tpu.memory_space<vmem>>
    %dma_start3A_149 = arith.constant 0 : i32
    %dma_start3A_150 = arith.constant 0 : i32
    %dma_start3A_151 = tpu.memref_slice %arg2[%dma_start3A_149, %dma_start3A_150] : memref<4096x128xf32, #tpu.memory_space<hbm>> -> memref<4096x128xf32, #tpu.memory_space<hbm>>
    tpu.enqueue_indirect_dma source(%dma_start3A_151 : memref<4096x128xf32, #tpu.memory_space<hbm>>) target(%arg6 : memref<128x128xf32, #tpu.memory_space<vmem>>) offsets(%dma_start3A_148 : memref<128xi32, #tpu.memory_space<vmem>>) semaphore(%arg7 : memref<!tpu.dma_semaphore, #tpu.memory_space<semaphore_mem>>)
    %dma_wait3A_152 = arith.constant 9 : i32
    %dma_wait3A_153 = arith.constant 0 : i32
    %dma_wait3A_154 = tpu.memref_slice %arg5[%dma_wait3A_152, %dma_wait3A_153] : memref<16x128xi32, #tpu.memory_space<vmem>> -> memref<1x128xi32, #tpu.memory_space<vmem>>
    %dma_wait3A_155 = tpu.memref_squeeze %dma_wait3A_154 : memref<1x128xi32, #tpu.memory_space<vmem>> -> memref<128xi32, #tpu.memory_space<vmem>>
    %dma_wait3A_156 = arith.constant 0 : i32
    %dma_wait3A_157 = arith.constant 0 : i32
    %dma_wait3A_158 = tpu.memref_slice %arg2[%dma_wait3A_156, %dma_wait3A_157] : memref<4096x128xf32, #tpu.memory_space<hbm>> -> memref<4096x128xf32, #tpu.memory_space<hbm>>
    tpu.wait_indirect_dma semaphore(%arg7 : memref<!tpu.dma_semaphore, #tpu.memory_space<semaphore_mem>>) src(%dma_wait3A_158 : memref<4096x128xf32, #tpu.memory_space<hbm>>) dst(%arg6 : memref<128x128xf32, #tpu.memory_space<vmem>>)
    %add3A_159 = arith.constant 1152 : i32
    %add3A_160 = arith.addi %mul3A_2, %add3A_159 : i32
    "tpu.region"() ({
      %run_scoped3A = tpu.sem_alloc : memref<!tpu.dma_semaphore, #tpu.memory_space<semaphore_mem>>
      %dma_start3A_257 = arith.constant 0 : i32
      %dma_start3A_258 = tpu.memref_slice %arg4[%add3A_160, %dma_start3A_257] : memref<65536x128xf32, #tpu.memory_space<hbm>> -> memref<128x128xf32, #tpu.memory_space<hbm>>
      %dma_start3A_259 = arith.constant 0 : i32
      %dma_start3A_260 = tpu.memref_slice %arg4[%add3A_160, %dma_start3A_259] : memref<65536x128xf32, #tpu.memory_space<hbm>> -> memref<128x128xf32, #tpu.memory_space<hbm>>
      tpu.enqueue_dma source(%arg6 : memref<128x128xf32, #tpu.memory_space<vmem>>) target(%dma_start3A_260 : memref<128x128xf32, #tpu.memory_space<hbm>>) target_semaphore(%run_scoped3A : memref<!tpu.dma_semaphore, #tpu.memory_space<semaphore_mem>>)
      %dma_wait3A_261 = arith.constant 0 : i32
      %dma_wait3A_262 = tpu.memref_slice %arg4[%add3A_160, %dma_wait3A_261] : memref<65536x128xf32, #tpu.memory_space<hbm>> -> memref<128x128xf32, #tpu.memory_space<hbm>>
      %dma_wait3A_263 = arith.constant 0 : i32
      %dma_wait3A_264 = tpu.memref_slice %arg4[%add3A_160, %dma_wait3A_263] : memref<65536x128xf32, #tpu.memory_space<hbm>> -> memref<128x128xf32, #tpu.memory_space<hbm>>
      tpu.wait_dma2 semaphore(%run_scoped3A : memref<!tpu.dma_semaphore, #tpu.memory_space<semaphore_mem>>) src(%arg6 : memref<128x128xf32, #tpu.memory_space<vmem>>) dst(%dma_wait3A_264 : memref<128x128xf32, #tpu.memory_space<hbm>>)
      tpu.yield
    }) : () -> ()
    %dma_start3A_161 = arith.constant 10 : i32
    %dma_start3A_162 = arith.constant 0 : i32
    %dma_start3A_163 = tpu.memref_slice %arg5[%dma_start3A_161, %dma_start3A_162] : memref<16x128xi32, #tpu.memory_space<vmem>> -> memref<1x128xi32, #tpu.memory_space<vmem>>
    %dma_start3A_164 = tpu.memref_squeeze %dma_start3A_163 : memref<1x128xi32, #tpu.memory_space<vmem>> -> memref<128xi32, #tpu.memory_space<vmem>>
    %dma_start3A_165 = arith.constant 0 : i32
    %dma_start3A_166 = arith.constant 0 : i32
    %dma_start3A_167 = tpu.memref_slice %arg2[%dma_start3A_165, %dma_start3A_166] : memref<4096x128xf32, #tpu.memory_space<hbm>> -> memref<4096x128xf32, #tpu.memory_space<hbm>>
    tpu.enqueue_indirect_dma source(%dma_start3A_167 : memref<4096x128xf32, #tpu.memory_space<hbm>>) target(%arg6 : memref<128x128xf32, #tpu.memory_space<vmem>>) offsets(%dma_start3A_164 : memref<128xi32, #tpu.memory_space<vmem>>) semaphore(%arg7 : memref<!tpu.dma_semaphore, #tpu.memory_space<semaphore_mem>>)
    %dma_wait3A_168 = arith.constant 10 : i32
    %dma_wait3A_169 = arith.constant 0 : i32
    %dma_wait3A_170 = tpu.memref_slice %arg5[%dma_wait3A_168, %dma_wait3A_169] : memref<16x128xi32, #tpu.memory_space<vmem>> -> memref<1x128xi32, #tpu.memory_space<vmem>>
    %dma_wait3A_171 = tpu.memref_squeeze %dma_wait3A_170 : memref<1x128xi32, #tpu.memory_space<vmem>> -> memref<128xi32, #tpu.memory_space<vmem>>
    %dma_wait3A_172 = arith.constant 0 : i32
    %dma_wait3A_173 = arith.constant 0 : i32
    %dma_wait3A_174 = tpu.memref_slice %arg2[%dma_wait3A_172, %dma_wait3A_173] : memref<4096x128xf32, #tpu.memory_space<hbm>> -> memref<4096x128xf32, #tpu.memory_space<hbm>>
    tpu.wait_indirect_dma semaphore(%arg7 : memref<!tpu.dma_semaphore, #tpu.memory_space<semaphore_mem>>) src(%dma_wait3A_174 : memref<4096x128xf32, #tpu.memory_space<hbm>>) dst(%arg6 : memref<128x128xf32, #tpu.memory_space<vmem>>)
    %add3A_175 = arith.constant 1280 : i32
    %add3A_176 = arith.addi %mul3A_2, %add3A_175 : i32
    "tpu.region"() ({
      %run_scoped3A = tpu.sem_alloc : memref<!tpu.dma_semaphore, #tpu.memory_space<semaphore_mem>>
      %dma_start3A_257 = arith.constant 0 : i32
      %dma_start3A_258 = tpu.memref_slice %arg4[%add3A_176, %dma_start3A_257] : memref<65536x128xf32, #tpu.memory_space<hbm>> -> memref<128x128xf32, #tpu.memory_space<hbm>>
      %dma_start3A_259 = arith.constant 0 : i32
      %dma_start3A_260 = tpu.memref_slice %arg4[%add3A_176, %dma_start3A_259] : memref<65536x128xf32, #tpu.memory_space<hbm>> -> memref<128x128xf32, #tpu.memory_space<hbm>>
      tpu.enqueue_dma source(%arg6 : memref<128x128xf32, #tpu.memory_space<vmem>>) target(%dma_start3A_260 : memref<128x128xf32, #tpu.memory_space<hbm>>) target_semaphore(%run_scoped3A : memref<!tpu.dma_semaphore, #tpu.memory_space<semaphore_mem>>)
      %dma_wait3A_261 = arith.constant 0 : i32
      %dma_wait3A_262 = tpu.memref_slice %arg4[%add3A_176, %dma_wait3A_261] : memref<65536x128xf32, #tpu.memory_space<hbm>> -> memref<128x128xf32, #tpu.memory_space<hbm>>
      %dma_wait3A_263 = arith.constant 0 : i32
      %dma_wait3A_264 = tpu.memref_slice %arg4[%add3A_176, %dma_wait3A_263] : memref<65536x128xf32, #tpu.memory_space<hbm>> -> memref<128x128xf32, #tpu.memory_space<hbm>>
      tpu.wait_dma2 semaphore(%run_scoped3A : memref<!tpu.dma_semaphore, #tpu.memory_space<semaphore_mem>>) src(%arg6 : memref<128x128xf32, #tpu.memory_space<vmem>>) dst(%dma_wait3A_264 : memref<128x128xf32, #tpu.memory_space<hbm>>)
      tpu.yield
    }) : () -> ()
    %dma_start3A_177 = arith.constant 11 : i32
    %dma_start3A_178 = arith.constant 0 : i32
    %dma_start3A_179 = tpu.memref_slice %arg5[%dma_start3A_177, %dma_start3A_178] : memref<16x128xi32, #tpu.memory_space<vmem>> -> memref<1x128xi32, #tpu.memory_space<vmem>>
    %dma_start3A_180 = tpu.memref_squeeze %dma_start3A_179 : memref<1x128xi32, #tpu.memory_space<vmem>> -> memref<128xi32, #tpu.memory_space<vmem>>
    %dma_start3A_181 = arith.constant 0 : i32
    %dma_start3A_182 = arith.constant 0 : i32
    %dma_start3A_183 = tpu.memref_slice %arg2[%dma_start3A_181, %dma_start3A_182] : memref<4096x128xf32, #tpu.memory_space<hbm>> -> memref<4096x128xf32, #tpu.memory_space<hbm>>
    tpu.enqueue_indirect_dma source(%dma_start3A_183 : memref<4096x128xf32, #tpu.memory_space<hbm>>) target(%arg6 : memref<128x128xf32, #tpu.memory_space<vmem>>) offsets(%dma_start3A_180 : memref<128xi32, #tpu.memory_space<vmem>>) semaphore(%arg7 : memref<!tpu.dma_semaphore, #tpu.memory_space<semaphore_mem>>)
    %dma_wait3A_184 = arith.constant 11 : i32
    %dma_wait3A_185 = arith.constant 0 : i32
    %dma_wait3A_186 = tpu.memref_slice %arg5[%dma_wait3A_184, %dma_wait3A_185] : memref<16x128xi32, #tpu.memory_space<vmem>> -> memref<1x128xi32, #tpu.memory_space<vmem>>
    %dma_wait3A_187 = tpu.memref_squeeze %dma_wait3A_186 : memref<1x128xi32, #tpu.memory_space<vmem>> -> memref<128xi32, #tpu.memory_space<vmem>>
    %dma_wait3A_188 = arith.constant 0 : i32
    %dma_wait3A_189 = arith.constant 0 : i32
    %dma_wait3A_190 = tpu.memref_slice %arg2[%dma_wait3A_188, %dma_wait3A_189] : memref<4096x128xf32, #tpu.memory_space<hbm>> -> memref<4096x128xf32, #tpu.memory_space<hbm>>
    tpu.wait_indirect_dma semaphore(%arg7 : memref<!tpu.dma_semaphore, #tpu.memory_space<semaphore_mem>>) src(%dma_wait3A_190 : memref<4096x128xf32, #tpu.memory_space<hbm>>) dst(%arg6 : memref<128x128xf32, #tpu.memory_space<vmem>>)
    %add3A_191 = arith.constant 1408 : i32
    %add3A_192 = arith.addi %mul3A_2, %add3A_191 : i32
    "tpu.region"() ({
      %run_scoped3A = tpu.sem_alloc : memref<!tpu.dma_semaphore, #tpu.memory_space<semaphore_mem>>
      %dma_start3A_257 = arith.constant 0 : i32
      %dma_start3A_258 = tpu.memref_slice %arg4[%add3A_192, %dma_start3A_257] : memref<65536x128xf32, #tpu.memory_space<hbm>> -> memref<128x128xf32, #tpu.memory_space<hbm>>
      %dma_start3A_259 = arith.constant 0 : i32
      %dma_start3A_260 = tpu.memref_slice %arg4[%add3A_192, %dma_start3A_259] : memref<65536x128xf32, #tpu.memory_space<hbm>> -> memref<128x128xf32, #tpu.memory_space<hbm>>
      tpu.enqueue_dma source(%arg6 : memref<128x128xf32, #tpu.memory_space<vmem>>) target(%dma_start3A_260 : memref<128x128xf32, #tpu.memory_space<hbm>>) target_semaphore(%run_scoped3A : memref<!tpu.dma_semaphore, #tpu.memory_space<semaphore_mem>>)
      %dma_wait3A_261 = arith.constant 0 : i32
      %dma_wait3A_262 = tpu.memref_slice %arg4[%add3A_192, %dma_wait3A_261] : memref<65536x128xf32, #tpu.memory_space<hbm>> -> memref<128x128xf32, #tpu.memory_space<hbm>>
      %dma_wait3A_263 = arith.constant 0 : i32
      %dma_wait3A_264 = tpu.memref_slice %arg4[%add3A_192, %dma_wait3A_263] : memref<65536x128xf32, #tpu.memory_space<hbm>> -> memref<128x128xf32, #tpu.memory_space<hbm>>
      tpu.wait_dma2 semaphore(%run_scoped3A : memref<!tpu.dma_semaphore, #tpu.memory_space<semaphore_mem>>) src(%arg6 : memref<128x128xf32, #tpu.memory_space<vmem>>) dst(%dma_wait3A_264 : memref<128x128xf32, #tpu.memory_space<hbm>>)
      tpu.yield
    }) : () -> ()
    %dma_start3A_193 = arith.constant 12 : i32
    %dma_start3A_194 = arith.constant 0 : i32
    %dma_start3A_195 = tpu.memref_slice %arg5[%dma_start3A_193, %dma_start3A_194] : memref<16x128xi32, #tpu.memory_space<vmem>> -> memref<1x128xi32, #tpu.memory_space<vmem>>
    %dma_start3A_196 = tpu.memref_squeeze %dma_start3A_195 : memref<1x128xi32, #tpu.memory_space<vmem>> -> memref<128xi32, #tpu.memory_space<vmem>>
    %dma_start3A_197 = arith.constant 0 : i32
    %dma_start3A_198 = arith.constant 0 : i32
    %dma_start3A_199 = tpu.memref_slice %arg2[%dma_start3A_197, %dma_start3A_198] : memref<4096x128xf32, #tpu.memory_space<hbm>> -> memref<4096x128xf32, #tpu.memory_space<hbm>>
    tpu.enqueue_indirect_dma source(%dma_start3A_199 : memref<4096x128xf32, #tpu.memory_space<hbm>>) target(%arg6 : memref<128x128xf32, #tpu.memory_space<vmem>>) offsets(%dma_start3A_196 : memref<128xi32, #tpu.memory_space<vmem>>) semaphore(%arg7 : memref<!tpu.dma_semaphore, #tpu.memory_space<semaphore_mem>>)
    %dma_wait3A_200 = arith.constant 12 : i32
    %dma_wait3A_201 = arith.constant 0 : i32
    %dma_wait3A_202 = tpu.memref_slice %arg5[%dma_wait3A_200, %dma_wait3A_201] : memref<16x128xi32, #tpu.memory_space<vmem>> -> memref<1x128xi32, #tpu.memory_space<vmem>>
    %dma_wait3A_203 = tpu.memref_squeeze %dma_wait3A_202 : memref<1x128xi32, #tpu.memory_space<vmem>> -> memref<128xi32, #tpu.memory_space<vmem>>
    %dma_wait3A_204 = arith.constant 0 : i32
    %dma_wait3A_205 = arith.constant 0 : i32
    %dma_wait3A_206 = tpu.memref_slice %arg2[%dma_wait3A_204, %dma_wait3A_205] : memref<4096x128xf32, #tpu.memory_space<hbm>> -> memref<4096x128xf32, #tpu.memory_space<hbm>>
    tpu.wait_indirect_dma semaphore(%arg7 : memref<!tpu.dma_semaphore, #tpu.memory_space<semaphore_mem>>) src(%dma_wait3A_206 : memref<4096x128xf32, #tpu.memory_space<hbm>>) dst(%arg6 : memref<128x128xf32, #tpu.memory_space<vmem>>)
    %add3A_207 = arith.constant 1536 : i32
    %add3A_208 = arith.addi %mul3A_2, %add3A_207 : i32
    "tpu.region"() ({
      %run_scoped3A = tpu.sem_alloc : memref<!tpu.dma_semaphore, #tpu.memory_space<semaphore_mem>>
      %dma_start3A_257 = arith.constant 0 : i32
      %dma_start3A_258 = tpu.memref_slice %arg4[%add3A_208, %dma_start3A_257] : memref<65536x128xf32, #tpu.memory_space<hbm>> -> memref<128x128xf32, #tpu.memory_space<hbm>>
      %dma_start3A_259 = arith.constant 0 : i32
      %dma_start3A_260 = tpu.memref_slice %arg4[%add3A_208, %dma_start3A_259] : memref<65536x128xf32, #tpu.memory_space<hbm>> -> memref<128x128xf32, #tpu.memory_space<hbm>>
      tpu.enqueue_dma source(%arg6 : memref<128x128xf32, #tpu.memory_space<vmem>>) target(%dma_start3A_260 : memref<128x128xf32, #tpu.memory_space<hbm>>) target_semaphore(%run_scoped3A : memref<!tpu.dma_semaphore, #tpu.memory_space<semaphore_mem>>)
      %dma_wait3A_261 = arith.constant 0 : i32
      %dma_wait3A_262 = tpu.memref_slice %arg4[%add3A_208, %dma_wait3A_261] : memref<65536x128xf32, #tpu.memory_space<hbm>> -> memref<128x128xf32, #tpu.memory_space<hbm>>
      %dma_wait3A_263 = arith.constant 0 : i32
      %dma_wait3A_264 = tpu.memref_slice %arg4[%add3A_208, %dma_wait3A_263] : memref<65536x128xf32, #tpu.memory_space<hbm>> -> memref<128x128xf32, #tpu.memory_space<hbm>>
      tpu.wait_dma2 semaphore(%run_scoped3A : memref<!tpu.dma_semaphore, #tpu.memory_space<semaphore_mem>>) src(%arg6 : memref<128x128xf32, #tpu.memory_space<vmem>>) dst(%dma_wait3A_264 : memref<128x128xf32, #tpu.memory_space<hbm>>)
      tpu.yield
    }) : () -> ()
    %dma_start3A_209 = arith.constant 13 : i32
    %dma_start3A_210 = arith.constant 0 : i32
    %dma_start3A_211 = tpu.memref_slice %arg5[%dma_start3A_209, %dma_start3A_210] : memref<16x128xi32, #tpu.memory_space<vmem>> -> memref<1x128xi32, #tpu.memory_space<vmem>>
    %dma_start3A_212 = tpu.memref_squeeze %dma_start3A_211 : memref<1x128xi32, #tpu.memory_space<vmem>> -> memref<128xi32, #tpu.memory_space<vmem>>
    %dma_start3A_213 = arith.constant 0 : i32
    %dma_start3A_214 = arith.constant 0 : i32
    %dma_start3A_215 = tpu.memref_slice %arg2[%dma_start3A_213, %dma_start3A_214] : memref<4096x128xf32, #tpu.memory_space<hbm>> -> memref<4096x128xf32, #tpu.memory_space<hbm>>
    tpu.enqueue_indirect_dma source(%dma_start3A_215 : memref<4096x128xf32, #tpu.memory_space<hbm>>) target(%arg6 : memref<128x128xf32, #tpu.memory_space<vmem>>) offsets(%dma_start3A_212 : memref<128xi32, #tpu.memory_space<vmem>>) semaphore(%arg7 : memref<!tpu.dma_semaphore, #tpu.memory_space<semaphore_mem>>)
    %dma_wait3A_216 = arith.constant 13 : i32
    %dma_wait3A_217 = arith.constant 0 : i32
    %dma_wait3A_218 = tpu.memref_slice %arg5[%dma_wait3A_216, %dma_wait3A_217] : memref<16x128xi32, #tpu.memory_space<vmem>> -> memref<1x128xi32, #tpu.memory_space<vmem>>
    %dma_wait3A_219 = tpu.memref_squeeze %dma_wait3A_218 : memref<1x128xi32, #tpu.memory_space<vmem>> -> memref<128xi32, #tpu.memory_space<vmem>>
    %dma_wait3A_220 = arith.constant 0 : i32
    %dma_wait3A_221 = arith.constant 0 : i32
    %dma_wait3A_222 = tpu.memref_slice %arg2[%dma_wait3A_220, %dma_wait3A_221] : memref<4096x128xf32, #tpu.memory_space<hbm>> -> memref<4096x128xf32, #tpu.memory_space<hbm>>
    tpu.wait_indirect_dma semaphore(%arg7 : memref<!tpu.dma_semaphore, #tpu.memory_space<semaphore_mem>>) src(%dma_wait3A_222 : memref<4096x128xf32, #tpu.memory_space<hbm>>) dst(%arg6 : memref<128x128xf32, #tpu.memory_space<vmem>>)
    %add3A_223 = arith.constant 1664 : i32
    %add3A_224 = arith.addi %mul3A_2, %add3A_223 : i32
    "tpu.region"() ({
      %run_scoped3A = tpu.sem_alloc : memref<!tpu.dma_semaphore, #tpu.memory_space<semaphore_mem>>
      %dma_start3A_257 = arith.constant 0 : i32
      %dma_start3A_258 = tpu.memref_slice %arg4[%add3A_224, %dma_start3A_257] : memref<65536x128xf32, #tpu.memory_space<hbm>> -> memref<128x128xf32, #tpu.memory_space<hbm>>
      %dma_start3A_259 = arith.constant 0 : i32
      %dma_start3A_260 = tpu.memref_slice %arg4[%add3A_224, %dma_start3A_259] : memref<65536x128xf32, #tpu.memory_space<hbm>> -> memref<128x128xf32, #tpu.memory_space<hbm>>
      tpu.enqueue_dma source(%arg6 : memref<128x128xf32, #tpu.memory_space<vmem>>) target(%dma_start3A_260 : memref<128x128xf32, #tpu.memory_space<hbm>>) target_semaphore(%run_scoped3A : memref<!tpu.dma_semaphore, #tpu.memory_space<semaphore_mem>>)
      %dma_wait3A_261 = arith.constant 0 : i32
      %dma_wait3A_262 = tpu.memref_slice %arg4[%add3A_224, %dma_wait3A_261] : memref<65536x128xf32, #tpu.memory_space<hbm>> -> memref<128x128xf32, #tpu.memory_space<hbm>>
      %dma_wait3A_263 = arith.constant 0 : i32
      %dma_wait3A_264 = tpu.memref_slice %arg4[%add3A_224, %dma_wait3A_263] : memref<65536x128xf32, #tpu.memory_space<hbm>> -> memref<128x128xf32, #tpu.memory_space<hbm>>
      tpu.wait_dma2 semaphore(%run_scoped3A : memref<!tpu.dma_semaphore, #tpu.memory_space<semaphore_mem>>) src(%arg6 : memref<128x128xf32, #tpu.memory_space<vmem>>) dst(%dma_wait3A_264 : memref<128x128xf32, #tpu.memory_space<hbm>>)
      tpu.yield
    }) : () -> ()
    %dma_start3A_225 = arith.constant 14 : i32
    %dma_start3A_226 = arith.constant 0 : i32
    %dma_start3A_227 = tpu.memref_slice %arg5[%dma_start3A_225, %dma_start3A_226] : memref<16x128xi32, #tpu.memory_space<vmem>> -> memref<1x128xi32, #tpu.memory_space<vmem>>
    %dma_start3A_228 = tpu.memref_squeeze %dma_start3A_227 : memref<1x128xi32, #tpu.memory_space<vmem>> -> memref<128xi32, #tpu.memory_space<vmem>>
    %dma_start3A_229 = arith.constant 0 : i32
    %dma_start3A_230 = arith.constant 0 : i32
    %dma_start3A_231 = tpu.memref_slice %arg2[%dma_start3A_229, %dma_start3A_230] : memref<4096x128xf32, #tpu.memory_space<hbm>> -> memref<4096x128xf32, #tpu.memory_space<hbm>>
    tpu.enqueue_indirect_dma source(%dma_start3A_231 : memref<4096x128xf32, #tpu.memory_space<hbm>>) target(%arg6 : memref<128x128xf32, #tpu.memory_space<vmem>>) offsets(%dma_start3A_228 : memref<128xi32, #tpu.memory_space<vmem>>) semaphore(%arg7 : memref<!tpu.dma_semaphore, #tpu.memory_space<semaphore_mem>>)
    %dma_wait3A_232 = arith.constant 14 : i32
    %dma_wait3A_233 = arith.constant 0 : i32
    %dma_wait3A_234 = tpu.memref_slice %arg5[%dma_wait3A_232, %dma_wait3A_233] : memref<16x128xi32, #tpu.memory_space<vmem>> -> memref<1x128xi32, #tpu.memory_space<vmem>>
    %dma_wait3A_235 = tpu.memref_squeeze %dma_wait3A_234 : memref<1x128xi32, #tpu.memory_space<vmem>> -> memref<128xi32, #tpu.memory_space<vmem>>
    %dma_wait3A_236 = arith.constant 0 : i32
    %dma_wait3A_237 = arith.constant 0 : i32
    %dma_wait3A_238 = tpu.memref_slice %arg2[%dma_wait3A_236, %dma_wait3A_237] : memref<4096x128xf32, #tpu.memory_space<hbm>> -> memref<4096x128xf32, #tpu.memory_space<hbm>>
    tpu.wait_indirect_dma semaphore(%arg7 : memref<!tpu.dma_semaphore, #tpu.memory_space<semaphore_mem>>) src(%dma_wait3A_238 : memref<4096x128xf32, #tpu.memory_space<hbm>>) dst(%arg6 : memref<128x128xf32, #tpu.memory_space<vmem>>)
    %add3A_239 = arith.constant 1792 : i32
    %add3A_240 = arith.addi %mul3A_2, %add3A_239 : i32
    "tpu.region"() ({
      %run_scoped3A = tpu.sem_alloc : memref<!tpu.dma_semaphore, #tpu.memory_space<semaphore_mem>>
      %dma_start3A_257 = arith.constant 0 : i32
      %dma_start3A_258 = tpu.memref_slice %arg4[%add3A_240, %dma_start3A_257] : memref<65536x128xf32, #tpu.memory_space<hbm>> -> memref<128x128xf32, #tpu.memory_space<hbm>>
      %dma_start3A_259 = arith.constant 0 : i32
      %dma_start3A_260 = tpu.memref_slice %arg4[%add3A_240, %dma_start3A_259] : memref<65536x128xf32, #tpu.memory_space<hbm>> -> memref<128x128xf32, #tpu.memory_space<hbm>>
      tpu.enqueue_dma source(%arg6 : memref<128x128xf32, #tpu.memory_space<vmem>>) target(%dma_start3A_260 : memref<128x128xf32, #tpu.memory_space<hbm>>) target_semaphore(%run_scoped3A : memref<!tpu.dma_semaphore, #tpu.memory_space<semaphore_mem>>)
      %dma_wait3A_261 = arith.constant 0 : i32
      %dma_wait3A_262 = tpu.memref_slice %arg4[%add3A_240, %dma_wait3A_261] : memref<65536x128xf32, #tpu.memory_space<hbm>> -> memref<128x128xf32, #tpu.memory_space<hbm>>
      %dma_wait3A_263 = arith.constant 0 : i32
      %dma_wait3A_264 = tpu.memref_slice %arg4[%add3A_240, %dma_wait3A_263] : memref<65536x128xf32, #tpu.memory_space<hbm>> -> memref<128x128xf32, #tpu.memory_space<hbm>>
      tpu.wait_dma2 semaphore(%run_scoped3A : memref<!tpu.dma_semaphore, #tpu.memory_space<semaphore_mem>>) src(%arg6 : memref<128x128xf32, #tpu.memory_space<vmem>>) dst(%dma_wait3A_264 : memref<128x128xf32, #tpu.memory_space<hbm>>)
      tpu.yield
    }) : () -> ()
    %dma_start3A_241 = arith.constant 15 : i32
    %dma_start3A_242 = arith.constant 0 : i32
    %dma_start3A_243 = tpu.memref_slice %arg5[%dma_start3A_241, %dma_start3A_242] : memref<16x128xi32, #tpu.memory_space<vmem>> -> memref<1x128xi32, #tpu.memory_space<vmem>>
    %dma_start3A_244 = tpu.memref_squeeze %dma_start3A_243 : memref<1x128xi32, #tpu.memory_space<vmem>> -> memref<128xi32, #tpu.memory_space<vmem>>
    %dma_start3A_245 = arith.constant 0 : i32
    %dma_start3A_246 = arith.constant 0 : i32
    %dma_start3A_247 = tpu.memref_slice %arg2[%dma_start3A_245, %dma_start3A_246] : memref<4096x128xf32, #tpu.memory_space<hbm>> -> memref<4096x128xf32, #tpu.memory_space<hbm>>
    tpu.enqueue_indirect_dma source(%dma_start3A_247 : memref<4096x128xf32, #tpu.memory_space<hbm>>) target(%arg6 : memref<128x128xf32, #tpu.memory_space<vmem>>) offsets(%dma_start3A_244 : memref<128xi32, #tpu.memory_space<vmem>>) semaphore(%arg7 : memref<!tpu.dma_semaphore, #tpu.memory_space<semaphore_mem>>)
    %dma_wait3A_248 = arith.constant 15 : i32
    %dma_wait3A_249 = arith.constant 0 : i32
    %dma_wait3A_250 = tpu.memref_slice %arg5[%dma_wait3A_248, %dma_wait3A_249] : memref<16x128xi32, #tpu.memory_space<vmem>> -> memref<1x128xi32, #tpu.memory_space<vmem>>
    %dma_wait3A_251 = tpu.memref_squeeze %dma_wait3A_250 : memref<1x128xi32, #tpu.memory_space<vmem>> -> memref<128xi32, #tpu.memory_space<vmem>>
    %dma_wait3A_252 = arith.constant 0 : i32
    %dma_wait3A_253 = arith.constant 0 : i32
    %dma_wait3A_254 = tpu.memref_slice %arg2[%dma_wait3A_252, %dma_wait3A_253] : memref<4096x128xf32, #tpu.memory_space<hbm>> -> memref<4096x128xf32, #tpu.memory_space<hbm>>
    tpu.wait_indirect_dma semaphore(%arg7 : memref<!tpu.dma_semaphore, #tpu.memory_space<semaphore_mem>>) src(%dma_wait3A_254 : memref<4096x128xf32, #tpu.memory_space<hbm>>) dst(%arg6 : memref<128x128xf32, #tpu.memory_space<vmem>>)
    %add3A_255 = arith.constant 1920 : i32
    %add3A_256 = arith.addi %mul3A_2, %add3A_255 : i32
    "tpu.region"() ({
      %run_scoped3A = tpu.sem_alloc : memref<!tpu.dma_semaphore, #tpu.memory_space<semaphore_mem>>
      %dma_start3A_257 = arith.constant 0 : i32
      %dma_start3A_258 = tpu.memref_slice %arg4[%add3A_256, %dma_start3A_257] : memref<65536x128xf32, #tpu.memory_space<hbm>> -> memref<128x128xf32, #tpu.memory_space<hbm>>
      %dma_start3A_259 = arith.constant 0 : i32
      %dma_start3A_260 = tpu.memref_slice %arg4[%add3A_256, %dma_start3A_259] : memref<65536x128xf32, #tpu.memory_space<hbm>> -> memref<128x128xf32, #tpu.memory_space<hbm>>
      tpu.enqueue_dma source(%arg6 : memref<128x128xf32, #tpu.memory_space<vmem>>) target(%dma_start3A_260 : memref<128x128xf32, #tpu.memory_space<hbm>>) target_semaphore(%run_scoped3A : memref<!tpu.dma_semaphore, #tpu.memory_space<semaphore_mem>>)
      %dma_wait3A_261 = arith.constant 0 : i32
      %dma_wait3A_262 = tpu.memref_slice %arg4[%add3A_256, %dma_wait3A_261] : memref<65536x128xf32, #tpu.memory_space<hbm>> -> memref<128x128xf32, #tpu.memory_space<hbm>>
      %dma_wait3A_263 = arith.constant 0 : i32
      %dma_wait3A_264 = tpu.memref_slice %arg4[%add3A_256, %dma_wait3A_263] : memref<65536x128xf32, #tpu.memory_space<hbm>> -> memref<128x128xf32, #tpu.memory_space<hbm>>
      tpu.wait_dma2 semaphore(%run_scoped3A : memref<!tpu.dma_semaphore, #tpu.memory_space<semaphore_mem>>) src(%arg6 : memref<128x128xf32, #tpu.memory_space<vmem>>) dst(%dma_wait3A_264 : memref<128x128xf32, #tpu.memory_space<hbm>>)
      tpu.yield
    }) : () -> ()
    return
  }
}

module attributes {stable_mosaic.version = 14 : i64} {
  func.func @_topk_body(%arg0: i32, %arg1: i32, %arg2: memref<1x256x3xf32, #tpu.memory_space<vmem>>, %arg3: memref<1x8x256xf32, #tpu.memory_space<vmem>>, %arg4: memref<1x8x2048xf32, #tpu.memory_space<vmem>>, %arg5: memref<1x64x2048xf32, #tpu.memory_space<vmem>>, %arg6: memref<1x64x256xf32, #tpu.memory_space<vmem>>, %arg7: memref<64x64xf32, #tpu.memory_space<vmem>>, %arg8: memref<64x8xf32, #tpu.memory_space<vmem>>, %arg9: memref<64x64xf32, #tpu.memory_space<vmem>>, %arg10: memref<64x8xf32, #tpu.memory_space<vmem>>, %arg11: memref<64x1xf32, #tpu.memory_space<vmem>>, %arg12: memref<1x256x16xi32, #tpu.memory_space<vmem>>, %arg13: memref<1x2048x128xf32, #tpu.memory_space<vmem>>, %arg14: memref<1x64x256xf32, #tpu.memory_space<vmem>>) attributes {dimension_semantics = [#tpu.dimension_semantics<parallel>, #tpu.dimension_semantics<arbitrary>], iteration_bounds = array<i64: 2, 8>, scalar_prefetch = 0 : i64, scratch_operands = 0 : i64, tpu.core_type = #tpu.core_type<tc>, window_params = [{transform_indices = @transform_0, window_bounds = array<i64: 1, 256, 3>}, {transform_indices = @transform_1, window_bounds = array<i64: 1, 8, 256>}, {transform_indices = @transform_2, window_bounds = array<i64: 1, 8, 2048>}, {transform_indices = @transform_3, window_bounds = array<i64: 1, 64, 2048>}, {transform_indices = @transform_4, window_bounds = array<i64: 1, 64, 256>}, {pipeline_mode = #tpu.pipeline_mode<synchronous>, transform_indices = @transform_5, window_bounds = array<i64: 64, 64>}, {pipeline_mode = #tpu.pipeline_mode<synchronous>, transform_indices = @transform_6, window_bounds = array<i64: 64, 8>}, {pipeline_mode = #tpu.pipeline_mode<synchronous>, transform_indices = @transform_7, window_bounds = array<i64: 64, 64>}, {pipeline_mode = #tpu.pipeline_mode<synchronous>, transform_indices = @transform_8, window_bounds = array<i64: 64, 8>}, {pipeline_mode = #tpu.pipeline_mode<synchronous>, transform_indices = @transform_9, window_bounds = array<i64: 64, 1>}, {transform_indices = @transform_10, window_bounds = array<i64: 1, 256, 16>}, {transform_indices = @transform_11, window_bounds = array<i64: 1, 2048, 128>}, {transform_indices = @transform_12, window_bounds = array<i64: 1, 64, 256>}]} {
    %eq3A = arith.constant 0 : i32
    %eq3A_0 = arith.cmpi eq, %arg1, %eq3A : i32
    %convert_element_type3A = arith.extui %eq3A_0 : i1 to i32
    %cond3A = arith.constant 0 : i32
    %cond3A_1 = arith.cmpi ne, %convert_element_type3A, %cond3A : i32
    scf.if %cond3A_1 {
      %get3A_195 = arith.constant 0 : index
      %get3A_196 = arith.constant 0 : index
      %get3A_197 = vector.load %arg9[%get3A_195, %get3A_196] : memref<64x64xf32, #tpu.memory_space<vmem>>, vector<64x64xf32>
      %get3A_198 = arith.constant 0 : index
      %get3A_199 = arith.constant 0 : index
      %get3A_200 = arith.constant 0 : index
      %get3A_201 = vector.load %arg5[%get3A_198, %get3A_199, %get3A_200] : memref<1x64x2048xf32, #tpu.memory_space<vmem>>, vector<1x64x2048xf32>
      %get3A_202 = vector.shape_cast %get3A_201 : vector<1x64x2048xf32> to vector<64x2048xf32>
      %dot_general3A_203 = arith.constant dense<0.000000e+00> : vector<64x2048xf32>
      %dot_general3A_204 = tpu.matmul %get3A_197, %get3A_202, %dot_general3A_203 {dimension_numbers = #tpu.dot_dimension_numbers<[1], [0], [0], [1], [0, 0, 1, 1], [], []>, transpose_lhs_hint = false} : vector<64x64xf32>, vector<64x2048xf32>, vector<64x2048xf32> -> vector<64x2048xf32>
      %get3A_205 = arith.constant 0 : index
      %get3A_206 = arith.constant 0 : index
      %get3A_207 = vector.load %arg10[%get3A_205, %get3A_206] : memref<64x8xf32, #tpu.memory_space<vmem>>, vector<64x8xf32>
      %get3A_208 = arith.constant 0 : index
      %get3A_209 = arith.constant 0 : index
      %get3A_210 = arith.constant 0 : index
      %get3A_211 = vector.load %arg4[%get3A_208, %get3A_209, %get3A_210] : memref<1x8x2048xf32, #tpu.memory_space<vmem>>, vector<1x8x2048xf32>
      %get3A_212 = vector.shape_cast %get3A_211 : vector<1x8x2048xf32> to vector<8x2048xf32>
      %dot_general3A_213 = arith.constant dense<0.000000e+00> : vector<64x2048xf32>
      %dot_general3A_214 = tpu.matmul %get3A_207, %get3A_212, %dot_general3A_213 {dimension_numbers = #tpu.dot_dimension_numbers<[1], [0], [0], [1], [0, 0, 1, 1], [], []>, transpose_lhs_hint = false} : vector<64x8xf32>, vector<8x2048xf32>, vector<64x2048xf32> -> vector<64x2048xf32>
      %add3A_215 = arith.addf %dot_general3A_204, %dot_general3A_214 : vector<64x2048xf32>
      %transpose3A = tpu.transpose %add3A_215, [1, 0] : vector<64x2048xf32> -> vector<2048x64xf32>
      %swap3A_216 = arith.constant 0 : index
      %swap3A_217 = arith.constant 0 : index
      %swap3A_218 = arith.constant 0 : index
      %swap3A_219 = vector.load %arg13[%swap3A_216, %swap3A_217, %swap3A_218] : memref<1x2048x128xf32, #tpu.memory_space<vmem>>, vector<1x2048x64xf32>
      %swap3A_220 = vector.shape_cast %swap3A_219 : vector<1x2048x64xf32> to vector<2048x64xf32>
      %swap3A_221 = vector.shape_cast %transpose3A : vector<2048x64xf32> to vector<1x2048x64xf32>
      tpu.vector_store %arg13[%swap3A_216, %swap3A_217, %swap3A_218], %swap3A_221 {strides = array<i32>} : memref<1x2048x128xf32, #tpu.memory_space<vmem>>, vector<1x2048x64xf32>,
      %broadcast_in_dim3A_222 = arith.constant 0.000000e+00 : f32
      %broadcast_in_dim3A_223 = vector.broadcast %broadcast_in_dim3A_222 : f32 to vector<2048x64xf32>
      %swap3A_224 = arith.constant 0 : index
      %swap3A_225 = arith.constant 0 : index
      %swap3A_226 = arith.constant 64 : index
      %swap3A_227 = vector.load %arg13[%swap3A_224, %swap3A_225, %swap3A_226] : memref<1x2048x128xf32, #tpu.memory_space<vmem>>, vector<1x2048x64xf32>
      %swap3A_228 = vector.shape_cast %swap3A_227 : vector<1x2048x64xf32> to vector<2048x64xf32>
      %swap3A_229 = vector.shape_cast %broadcast_in_dim3A_223 : vector<2048x64xf32> to vector<1x2048x64xf32>
      tpu.vector_store %arg13[%swap3A_224, %swap3A_225, %swap3A_226], %swap3A_229 {strides = array<i32>} : memref<1x2048x128xf32, #tpu.memory_space<vmem>>, vector<1x2048x64xf32>,
    } else {
    }
    %get3A = arith.constant 0 : index
    %get3A_2 = arith.constant 0 : index
    %get3A_3 = vector.load %arg7[%get3A, %get3A_2] : memref<64x64xf32, #tpu.memory_space<vmem>>, vector<64x64xf32>
    %get3A_4 = arith.constant 0 : index
    %get3A_5 = arith.constant 0 : index
    %get3A_6 = arith.constant 0 : index
    %get3A_7 = vector.load %arg6[%get3A_4, %get3A_5, %get3A_6] : memref<1x64x256xf32, #tpu.memory_space<vmem>>, vector<1x64x256xf32>
    %get3A_8 = vector.shape_cast %get3A_7 : vector<1x64x256xf32> to vector<64x256xf32>
    %dot_general3A = arith.constant dense<0.000000e+00> : vector<64x256xf32>
    %dot_general3A_9 = tpu.matmul %get3A_3, %get3A_8, %dot_general3A {dimension_numbers = #tpu.dot_dimension_numbers<[1], [0], [0], [1], [0, 0, 1, 1], [], []>, transpose_lhs_hint = false} : vector<64x64xf32>, vector<64x256xf32>, vector<64x256xf32> -> vector<64x256xf32>
    %get3A_10 = arith.constant 0 : index
    %get3A_11 = arith.constant 0 : index
    %get3A_12 = vector.load %arg8[%get3A_10, %get3A_11] : memref<64x8xf32, #tpu.memory_space<vmem>>, vector<64x8xf32>
    %get3A_13 = arith.constant 0 : index
    %get3A_14 = arith.constant 0 : index
    %get3A_15 = arith.constant 0 : index
    %get3A_16 = vector.load %arg3[%get3A_13, %get3A_14, %get3A_15] : memref<1x8x256xf32, #tpu.memory_space<vmem>>, vector<1x8x256xf32>
    %get3A_17 = vector.shape_cast %get3A_16 : vector<1x8x256xf32> to vector<8x256xf32>
    %dot_general3A_18 = arith.constant dense<0.000000e+00> : vector<64x256xf32>
    %dot_general3A_19 = tpu.matmul %get3A_12, %get3A_17, %dot_general3A_18 {dimension_numbers = #tpu.dot_dimension_numbers<[1], [0], [0], [1], [0, 0, 1, 1], [], []>, transpose_lhs_hint = false} : vector<64x8xf32>, vector<8x256xf32>, vector<64x256xf32> -> vector<64x256xf32>
    %add3A = arith.addf %dot_general3A_9, %dot_general3A_19 : vector<64x256xf32>
    %get3A_20 = arith.constant 0 : index
    %get3A_21 = arith.constant 0 : index
    %get3A_22 = vector.load %arg11[%get3A_20, %get3A_21] : memref<64x1xf32, #tpu.memory_space<vmem>>, vector<64x1xf32>
    %add3A_23 = vector.broadcast %get3A_22 : vector<64x1xf32> to vector<64x256xf32>
    %add3A_24 = arith.addf %add3A, %add3A_23 : vector<64x256xf32>
    %swap3A = arith.constant 0 : index
    %swap3A_25 = arith.constant 0 : index
    %swap3A_26 = arith.constant 0 : index
    %swap3A_27 = vector.load %arg14[%swap3A, %swap3A_25, %swap3A_26] : memref<1x64x256xf32, #tpu.memory_space<vmem>>, vector<1x64x256xf32>
    %swap3A_28 = vector.shape_cast %swap3A_27 : vector<1x64x256xf32> to vector<64x256xf32>
    %swap3A_29 = vector.shape_cast %add3A_24 : vector<64x256xf32> to vector<1x64x256xf32>
    tpu.vector_store %arg14[%swap3A, %swap3A_25, %swap3A_26], %swap3A_29 {strides = array<i32>} : memref<1x64x256xf32, #tpu.memory_space<vmem>>, vector<1x64x256xf32>,
    %get3A_30 = arith.constant 0 : index
    %get3A_31 = arith.constant 0 : index
    %get3A_32 = arith.constant 0 : index
    %get3A_33 = vector.load %arg2[%get3A_30, %get3A_31, %get3A_32] : memref<1x256x3xf32, #tpu.memory_space<vmem>>, vector<1x256x3xf32>
    %get3A_34 = vector.shape_cast %get3A_33 : vector<1x256x3xf32> to vector<256x3xf32>
    %get3A_35 = arith.constant 0 : index
    %get3A_36 = arith.constant 0 : index
    %get3A_37 = arith.constant 0 : index
    %get3A_38 = vector.load %arg4[%get3A_35, %get3A_36, %get3A_37] : memref<1x8x2048xf32, #tpu.memory_space<vmem>>, vector<1x8x2048xf32>
    %get3A_39 = vector.shape_cast %get3A_38 : vector<1x8x2048xf32> to vector<8x2048xf32>
    %slice3A = vector.extract_strided_slice %get3A_34 {offsets = [0, 0], sizes = [256, 1], strides = [1, 1]} : vector<256x3xf32> to vector<256x1xf32>
    %slice3A_40 = vector.extract_strided_slice %get3A_39 {offsets = [0, 0], sizes = [1, 2048], strides = [1, 1]} : vector<8x2048xf32> to vector<1x2048xf32>
    %sub3A = vector.broadcast %slice3A : vector<256x1xf32> to vector<256x2048xf32>
    %sub3A_41 = vector.broadcast %slice3A_40 : vector<1x2048xf32> to vector<256x2048xf32>
    %sub3A_42 = arith.subf %sub3A, %sub3A_41 : vector<256x2048xf32>
    %slice3A_43 = vector.extract_strided_slice %get3A_34 {offsets = [0, 1], sizes = [256, 1], strides = [1, 1]} : vector<256x3xf32> to vector<256x1xf32>
    %slice3A_44 = vector.extract_strided_slice %get3A_39 {offsets = [1, 0], sizes = [1, 2048], strides = [1, 1]} : vector<8x2048xf32> to vector<1x2048xf32>
    %sub3A_45 = vector.broadcast %slice3A_43 : vector<256x1xf32> to vector<256x2048xf32>
    %sub3A_46 = vector.broadcast %slice3A_44 : vector<1x2048xf32> to vector<256x2048xf32>
    %sub3A_47 = arith.subf %sub3A_45, %sub3A_46 : vector<256x2048xf32>
    %slice3A_48 = vector.extract_strided_slice %get3A_34 {offsets = [0, 2], sizes = [256, 1], strides = [1, 1]} : vector<256x3xf32> to vector<256x1xf32>
    %slice3A_49 = vector.extract_strided_slice %get3A_39 {offsets = [2, 0], sizes = [1, 2048], strides = [1, 1]} : vector<8x2048xf32> to vector<1x2048xf32>
    %sub3A_50 = vector.broadcast %slice3A_48 : vector<256x1xf32> to vector<256x2048xf32>
    %sub3A_51 = vector.broadcast %slice3A_49 : vector<1x2048xf32> to vector<256x2048xf32>
    %sub3A_52 = arith.subf %sub3A_50, %sub3A_51 : vector<256x2048xf32>
    %mul3A = arith.mulf %sub3A_42, %sub3A_42 : vector<256x2048xf32>
    %mul3A_53 = arith.mulf %sub3A_47, %sub3A_47 : vector<256x2048xf32>
    %add3A_54 = arith.addf %mul3A, %mul3A_53 : vector<256x2048xf32>
    %mul3A_55 = arith.mulf %sub3A_52, %sub3A_52 : vector<256x2048xf32>
    %add3A_56 = arith.addf %add3A_54, %mul3A_55 : vector<256x2048xf32>
    %reshape3A = vector.shape_cast %add3A_56 : vector<256x2048xf32> to vector<256x16x128xf32>
    %reduce_min3A = arith.constant dense<0x7F800000> : vector<256x16xf32>
    %reduce_min3A_57 = vector.multi_reduction <minimumf>, %reshape3A, %reduce_min3A [2] : vector<256x16x128xf32> to vector<256x16xf32>
    %reduce_max3A = arith.constant dense<0xFF800000> : vector<256xf32>
    %reduce_max3A_58 = vector.multi_reduction <maximumf>, %reduce_min3A_57, %reduce_max3A [1] : vector<256x16xf32> to vector<256xf32>
    %broadcast_in_dim3A = vector.shape_cast %reduce_max3A_58 : vector<256xf32> to vector<256x1xf32>
    %max3A = arith.constant 9.99999991E-38 : f32
    %max3A_59 = vector.broadcast %max3A : f32 to vector<256x1xf32>
    %max3A_60 = arith.maximumf %broadcast_in_dim3A, %max3A_59 : vector<256x1xf32>
    %div3A = arith.constant 5.242870e+05 : f32
    %div3A_61 = vector.broadcast %div3A : f32 to vector<256x1xf32>
    %div3A_62 = arith.divf %div3A_61, %max3A_60 : vector<256x1xf32>
    %mul3A_63 = vector.broadcast %div3A_62 : vector<256x1xf32> to vector<256x2048xf32>
    %mul3A_64 = arith.mulf %add3A_56, %mul3A_63 : vector<256x2048xf32>
    %min3A = arith.constant 5.242870e+05 : f32
    %min3A_65 = vector.broadcast %min3A : f32 to vector<256x2048xf32>
    %min3A_66 = arith.minimumf %mul3A_64, %min3A_65 : vector<256x2048xf32>
    %convert_element_type3A_67 = arith.fptosi %min3A_66 : vector<256x2048xf32> to vector<256x2048xi32>
    %iota3A = tpu.iota {dimensions = array<i32: 1>} : vector<256x2048xi32>
    %shift_left3A = arith.constant 11 : i32
    %shift_left3A_68 = vector.broadcast %shift_left3A : i32 to vector<256x2048xi32>
    %shift_left3A_69 = arith.shli %convert_element_type3A_67, %shift_left3A_68 : vector<256x2048xi32>
    %or3A = arith.ori %shift_left3A_69, %iota3A : vector<256x2048xi32>
    %add3A_70 = arith.constant 8388608 : i32
    %add3A_71 = vector.broadcast %add3A_70 : i32 to vector<256x2048xi32>
    %add3A_72 = arith.addi %or3A, %add3A_71 : vector<256x2048xi32>
    %bitcast_convert_type3A = tpu.bitcast %add3A_72 : vector<256x2048xi32> -> vector<256x2048xf32>
    %bitcast_convert_type3A_73 = arith.constant 2130706432 : i32
    %bitcast_convert_type3A_74 = arith.bitcast %bitcast_convert_type3A_73 : i32 to f32
    %reduce_min3A_75 = arith.constant dense<0x7F800000> : vector<256xf32>
    %reduce_min3A_76 = vector.multi_reduction <minimumf>, %bitcast_convert_type3A, %reduce_min3A_75 [1] : vector<256x2048xf32> to vector<256xf32>
    %broadcast_in_dim3A_77 = vector.shape_cast %reduce_min3A_76 : vector<256xf32> to vector<256x1xf32>
    %eq3A_78 = vector.broadcast %broadcast_in_dim3A_77 : vector<256x1xf32> to vector<256x2048xf32>
    %eq3A_79 = arith.cmpf oeq, %bitcast_convert_type3A, %eq3A_78 : vector<256x2048xf32>
    %broadcast_in_dim3A_80 = vector.broadcast %bitcast_convert_type3A_74 : f32 to vector<256x2048xf32>
    %select_n3A = arith.select %eq3A_79, %broadcast_in_dim3A_80, %bitcast_convert_type3A : vector<256x2048xi1>, vector<256x2048xf32>
    %reduce_min3A_81 = arith.constant dense<0x7F800000> : vector<256xf32>
    %reduce_min3A_82 = vector.multi_reduction <minimumf>, %select_n3A, %reduce_min3A_81 [1] : vector<256x2048xf32> to vector<256xf32>
    %broadcast_in_dim3A_83 = vector.shape_cast %reduce_min3A_82 : vector<256xf32> to vector<256x1xf32>
    %eq3A_84 = vector.broadcast %broadcast_in_dim3A_83 : vector<256x1xf32> to vector<256x2048xf32>
    %eq3A_85 = arith.cmpf oeq, %select_n3A, %eq3A_84 : vector<256x2048xf32>
    %broadcast_in_dim3A_86 = vector.broadcast %bitcast_convert_type3A_74 : f32 to vector<256x2048xf32>
    %select_n3A_87 = arith.select %eq3A_85, %broadcast_in_dim3A_86, %select_n3A : vector<256x2048xi1>, vector<256x2048xf32>
    %reduce_min3A_88 = arith.constant dense<0x7F800000> : vector<256xf32>
    %reduce_min3A_89 = vector.multi_reduction <minimumf>, %select_n3A_87, %reduce_min3A_88 [1] : vector<256x2048xf32> to vector<256xf32>
    %broadcast_in_dim3A_90 = vector.shape_cast %reduce_min3A_89 : vector<256xf32> to vector<256x1xf32>
    %eq3A_91 = vector.broadcast %broadcast_in_dim3A_90 : vector<256x1xf32> to vector<256x2048xf32>
    %eq3A_92 = arith.cmpf oeq, %select_n3A_87, %eq3A_91 : vector<256x2048xf32>
    %broadcast_in_dim3A_93 = vector.broadcast %bitcast_convert_type3A_74 : f32 to vector<256x2048xf32>
    %select_n3A_94 = arith.select %eq3A_92, %broadcast_in_dim3A_93, %select_n3A_87 : vector<256x2048xi1>, vector<256x2048xf32>
    %reduce_min3A_95 = arith.constant dense<0x7F800000> : vector<256xf32>
    %reduce_min3A_96 = vector.multi_reduction <minimumf>, %select_n3A_94, %reduce_min3A_95 [1] : vector<256x2048xf32> to vector<256xf32>
    %broadcast_in_dim3A_97 = vector.shape_cast %reduce_min3A_96 : vector<256xf32> to vector<256x1xf32>
    %eq3A_98 = vector.broadcast %broadcast_in_dim3A_97 : vector<256x1xf32> to vector<256x2048xf32>
    %eq3A_99 = arith.cmpf oeq, %select_n3A_94, %eq3A_98 : vector<256x2048xf32>
    %broadcast_in_dim3A_100 = vector.broadcast %bitcast_convert_type3A_74 : f32 to vector<256x2048xf32>
    %select_n3A_101 = arith.select %eq3A_99, %broadcast_in_dim3A_100, %select_n3A_94 : vector<256x2048xi1>, vector<256x2048xf32>
    %reduce_min3A_102 = arith.constant dense<0x7F800000> : vector<256xf32>
    %reduce_min3A_103 = vector.multi_reduction <minimumf>, %select_n3A_101, %reduce_min3A_102 [1] : vector<256x2048xf32> to vector<256xf32>
    %broadcast_in_dim3A_104 = vector.shape_cast %reduce_min3A_103 : vector<256xf32> to vector<256x1xf32>
    %eq3A_105 = vector.broadcast %broadcast_in_dim3A_104 : vector<256x1xf32> to vector<256x2048xf32>
    %eq3A_106 = arith.cmpf oeq, %select_n3A_101, %eq3A_105 : vector<256x2048xf32>
    %broadcast_in_dim3A_107 = vector.broadcast %bitcast_convert_type3A_74 : f32 to vector<256x2048xf32>
    %select_n3A_108 = arith.select %eq3A_106, %broadcast_in_dim3A_107, %select_n3A_101 : vector<256x2048xi1>, vector<256x2048xf32>
    %reduce_min3A_109 = arith.constant dense<0x7F800000> : vector<256xf32>
    %reduce_min3A_110 = vector.multi_reduction <minimumf>, %select_n3A_108, %reduce_min3A_109 [1] : vector<256x2048xf32> to vector<256xf32>
    %broadcast_in_dim3A_111 = vector.shape_cast %reduce_min3A_110 : vector<256xf32> to vector<256x1xf32>
    %eq3A_112 = vector.broadcast %broadcast_in_dim3A_111 : vector<256x1xf32> to vector<256x2048xf32>
    %eq3A_113 = arith.cmpf oeq, %select_n3A_108, %eq3A_112 : vector<256x2048xf32>
    %broadcast_in_dim3A_114 = vector.broadcast %bitcast_convert_type3A_74 : f32 to vector<256x2048xf32>
    %select_n3A_115 = arith.select %eq3A_113, %broadcast_in_dim3A_114, %select_n3A_108 : vector<256x2048xi1>, vector<256x2048xf32>
    %reduce_min3A_116 = arith.constant dense<0x7F800000> : vector<256xf32>
    %reduce_min3A_117 = vector.multi_reduction <minimumf>, %select_n3A_115, %reduce_min3A_116 [1] : vector<256x2048xf32> to vector<256xf32>
    %broadcast_in_dim3A_118 = vector.shape_cast %reduce_min3A_117 : vector<256xf32> to vector<256x1xf32>
    %eq3A_119 = vector.broadcast %broadcast_in_dim3A_118 : vector<256x1xf32> to vector<256x2048xf32>
    %eq3A_120 = arith.cmpf oeq, %select_n3A_115, %eq3A_119 : vector<256x2048xf32>
    %broadcast_in_dim3A_121 = vector.broadcast %bitcast_convert_type3A_74 : f32 to vector<256x2048xf32>
    %select_n3A_122 = arith.select %eq3A_120, %broadcast_in_dim3A_121, %select_n3A_115 : vector<256x2048xi1>, vector<256x2048xf32>
    %reduce_min3A_123 = arith.constant dense<0x7F800000> : vector<256xf32>
    %reduce_min3A_124 = vector.multi_reduction <minimumf>, %select_n3A_122, %reduce_min3A_123 [1] : vector<256x2048xf32> to vector<256xf32>
    %broadcast_in_dim3A_125 = vector.shape_cast %reduce_min3A_124 : vector<256xf32> to vector<256x1xf32>
    %eq3A_126 = vector.broadcast %broadcast_in_dim3A_125 : vector<256x1xf32> to vector<256x2048xf32>
    %eq3A_127 = arith.cmpf oeq, %select_n3A_122, %eq3A_126 : vector<256x2048xf32>
    %broadcast_in_dim3A_128 = vector.broadcast %bitcast_convert_type3A_74 : f32 to vector<256x2048xf32>
    %select_n3A_129 = arith.select %eq3A_127, %broadcast_in_dim3A_128, %select_n3A_122 : vector<256x2048xi1>, vector<256x2048xf32>
    %reduce_min3A_130 = arith.constant dense<0x7F800000> : vector<256xf32>
    %reduce_min3A_131 = vector.multi_reduction <minimumf>, %select_n3A_129, %reduce_min3A_130 [1] : vector<256x2048xf32> to vector<256xf32>
    %broadcast_in_dim3A_132 = vector.shape_cast %reduce_min3A_131 : vector<256xf32> to vector<256x1xf32>
    %eq3A_133 = vector.broadcast %broadcast_in_dim3A_132 : vector<256x1xf32> to vector<256x2048xf32>
    %eq3A_134 = arith.cmpf oeq, %select_n3A_129, %eq3A_133 : vector<256x2048xf32>
    %broadcast_in_dim3A_135 = vector.broadcast %bitcast_convert_type3A_74 : f32 to vector<256x2048xf32>
    %select_n3A_136 = arith.select %eq3A_134, %broadcast_in_dim3A_135, %select_n3A_129 : vector<256x2048xi1>, vector<256x2048xf32>
    %reduce_min3A_137 = arith.constant dense<0x7F800000> : vector<256xf32>
    %reduce_min3A_138 = vector.multi_reduction <minimumf>, %select_n3A_136, %reduce_min3A_137 [1] : vector<256x2048xf32> to vector<256xf32>
    %broadcast_in_dim3A_139 = vector.shape_cast %reduce_min3A_138 : vector<256xf32> to vector<256x1xf32>
    %eq3A_140 = vector.broadcast %broadcast_in_dim3A_139 : vector<256x1xf32> to vector<256x2048xf32>
    %eq3A_141 = arith.cmpf oeq, %select_n3A_136, %eq3A_140 : vector<256x2048xf32>
    %broadcast_in_dim3A_142 = vector.broadcast %bitcast_convert_type3A_74 : f32 to vector<256x2048xf32>
    %select_n3A_143 = arith.select %eq3A_141, %broadcast_in_dim3A_142, %select_n3A_136 : vector<256x2048xi1>, vector<256x2048xf32>
    %reduce_min3A_144 = arith.constant dense<0x7F800000> : vector<256xf32>
    %reduce_min3A_145 = vector.multi_reduction <minimumf>, %select_n3A_143, %reduce_min3A_144 [1] : vector<256x2048xf32> to vector<256xf32>
    %broadcast_in_dim3A_146 = vector.shape_cast %reduce_min3A_145 : vector<256xf32> to vector<256x1xf32>
    %eq3A_147 = vector.broadcast %broadcast_in_dim3A_146 : vector<256x1xf32> to vector<256x2048xf32>
    %eq3A_148 = arith.cmpf oeq, %select_n3A_143, %eq3A_147 : vector<256x2048xf32>
    %broadcast_in_dim3A_149 = vector.broadcast %bitcast_convert_type3A_74 : f32 to vector<256x2048xf32>
    %select_n3A_150 = arith.select %eq3A_148, %broadcast_in_dim3A_149, %select_n3A_143 : vector<256x2048xi1>, vector<256x2048xf32>
    %reduce_min3A_151 = arith.constant dense<0x7F800000> : vector<256xf32>
    %reduce_min3A_152 = vector.multi_reduction <minimumf>, %select_n3A_150, %reduce_min3A_151 [1] : vector<256x2048xf32> to vector<256xf32>
    %broadcast_in_dim3A_153 = vector.shape_cast %reduce_min3A_152 : vector<256xf32> to vector<256x1xf32>
    %eq3A_154 = vector.broadcast %broadcast_in_dim3A_153 : vector<256x1xf32> to vector<256x2048xf32>
    %eq3A_155 = arith.cmpf oeq, %select_n3A_150, %eq3A_154 : vector<256x2048xf32>
    %broadcast_in_dim3A_156 = vector.broadcast %bitcast_convert_type3A_74 : f32 to vector<256x2048xf32>
    %select_n3A_157 = arith.select %eq3A_155, %broadcast_in_dim3A_156, %select_n3A_150 : vector<256x2048xi1>, vector<256x2048xf32>
    %reduce_min3A_158 = arith.constant dense<0x7F800000> : vector<256xf32>
    %reduce_min3A_159 = vector.multi_reduction <minimumf>, %select_n3A_157, %reduce_min3A_158 [1] : vector<256x2048xf32> to vector<256xf32>
    %broadcast_in_dim3A_160 = vector.shape_cast %reduce_min3A_159 : vector<256xf32> to vector<256x1xf32>
    %eq3A_161 = vector.broadcast %broadcast_in_dim3A_160 : vector<256x1xf32> to vector<256x2048xf32>
    %eq3A_162 = arith.cmpf oeq, %select_n3A_157, %eq3A_161 : vector<256x2048xf32>
    %broadcast_in_dim3A_163 = vector.broadcast %bitcast_convert_type3A_74 : f32 to vector<256x2048xf32>
    %select_n3A_164 = arith.select %eq3A_162, %broadcast_in_dim3A_163, %select_n3A_157 : vector<256x2048xi1>, vector<256x2048xf32>
    %reduce_min3A_165 = arith.constant dense<0x7F800000> : vector<256xf32>
    %reduce_min3A_166 = vector.multi_reduction <minimumf>, %select_n3A_164, %reduce_min3A_165 [1] : vector<256x2048xf32> to vector<256xf32>
    %broadcast_in_dim3A_167 = vector.shape_cast %reduce_min3A_166 : vector<256xf32> to vector<256x1xf32>
    %eq3A_168 = vector.broadcast %broadcast_in_dim3A_167 : vector<256x1xf32> to vector<256x2048xf32>
    %eq3A_169 = arith.cmpf oeq, %select_n3A_164, %eq3A_168 : vector<256x2048xf32>
    %broadcast_in_dim3A_170 = vector.broadcast %bitcast_convert_type3A_74 : f32 to vector<256x2048xf32>
    %select_n3A_171 = arith.select %eq3A_169, %broadcast_in_dim3A_170, %select_n3A_164 : vector<256x2048xi1>, vector<256x2048xf32>
    %reduce_min3A_172 = arith.constant dense<0x7F800000> : vector<256xf32>
    %reduce_min3A_173 = vector.multi_reduction <minimumf>, %select_n3A_171, %reduce_min3A_172 [1] : vector<256x2048xf32> to vector<256xf32>
    %broadcast_in_dim3A_174 = vector.shape_cast %reduce_min3A_173 : vector<256xf32> to vector<256x1xf32>
    %eq3A_175 = vector.broadcast %broadcast_in_dim3A_174 : vector<256x1xf32> to vector<256x2048xf32>
    %eq3A_176 = arith.cmpf oeq, %select_n3A_171, %eq3A_175 : vector<256x2048xf32>
    %broadcast_in_dim3A_177 = vector.broadcast %bitcast_convert_type3A_74 : f32 to vector<256x2048xf32>
    %select_n3A_178 = arith.select %eq3A_176, %broadcast_in_dim3A_177, %select_n3A_171 : vector<256x2048xi1>, vector<256x2048xf32>
    %reduce_min3A_179 = arith.constant dense<0x7F800000> : vector<256xf32>
    %reduce_min3A_180 = vector.multi_reduction <minimumf>, %select_n3A_178, %reduce_min3A_179 [1] : vector<256x2048xf32> to vector<256xf32>
    %broadcast_in_dim3A_181 = vector.shape_cast %reduce_min3A_180 : vector<256xf32> to vector<256x1xf32>
    %concatenate3A = tpu.concatenate %broadcast_in_dim3A_77, %broadcast_in_dim3A_83, %broadcast_in_dim3A_90, %broadcast_in_dim3A_97, %broadcast_in_dim3A_104, %broadcast_in_dim3A_111, %broadcast_in_dim3A_118, %broadcast_in_dim3A_125, %broadcast_in_dim3A_132, %broadcast_in_dim3A_139, %broadcast_in_dim3A_146, %broadcast_in_dim3A_153, %broadcast_in_dim3A_160, %broadcast_in_dim3A_167, %broadcast_in_dim3A_174, %broadcast_in_dim3A_181 in 1 : vector<256x1xf32>, vector<256x1xf32>, vector<256x1xf32>, vector<256x1xf32>, vector<256x1xf32>, vector<256x1xf32>, vector<256x1xf32>, vector<256x1xf32>, vector<256x1xf32>, vector<256x1xf32>, vector<256x1xf32>, vector<256x1xf32>, vector<256x1xf32>, vector<256x1xf32>, vector<256x1xf32>, vector<256x1xf32> -> vector<256x16xf32>
    %bitcast_convert_type3A_182 = tpu.bitcast %concatenate3A : vector<256x16xf32> -> vector<256x16xi32>
    %and3A = arith.constant 2047 : i32
    %and3A_183 = vector.broadcast %and3A : i32 to vector<256x16xi32>
    %and3A_184 = arith.andi %bitcast_convert_type3A_182, %and3A_183 : vector<256x16xi32>
    %mul3A_185 = arith.constant 2048 : i32
    %mul3A_186 = arith.muli %arg0, %mul3A_185 : i32
    %add3A_187 = vector.broadcast %mul3A_186 : i32 to vector<256x16xi32>
    %add3A_188 = arith.addi %and3A_184, %add3A_187 : vector<256x16xi32>
    %swap3A_189 = arith.constant 0 : index
    %swap3A_190 = arith.constant 0 : index
    %swap3A_191 = arith.constant 0 : index
    %swap3A_192 = vector.load %arg12[%swap3A_189, %swap3A_190, %swap3A_191] : memref<1x256x16xi32, #tpu.memory_space<vmem>>, vector<1x256x16xi32>
    %swap3A_193 = vector.shape_cast %swap3A_192 : vector<1x256x16xi32> to vector<256x16xi32>
    %swap3A_194 = vector.shape_cast %add3A_188 : vector<256x16xi32> to vector<1x256x16xi32>
    tpu.vector_store %arg12[%swap3A_189, %swap3A_190, %swap3A_191], %swap3A_194 {strides = array<i32>} : memref<1x256x16xi32, #tpu.memory_space<vmem>>, vector<1x256x16xi32>,
    return
  }
  func.func @transform_0(%arg0: i32, %arg1: i32) -> (i32, i32, i32) {
    %c0_i32 = arith.constant 0 : i32
    %c0_i32_0 = arith.constant 0 : i32
    return %arg0, %arg1, %c0_i32 : i32, i32, i32
  }
  func.func @transform_1(%arg0: i32, %arg1: i32) -> (i32, i32, i32) {
    %c0_i32 = arith.constant 0 : i32
    %c0_i32_0 = arith.constant 0 : i32
    return %arg0, %c0_i32, %arg1 : i32, i32, i32
  }
  func.func @transform_2(%arg0: i32, %arg1: i32) -> (i32, i32, i32) {
    %c0_i32 = arith.constant 0 : i32
    %c0_i32_0 = arith.constant 0 : i32
    %c0_i32_1 = arith.constant 0 : i32
    return %arg0, %c0_i32, %c0_i32_0 : i32, i32, i32
  }
  func.func @transform_3(%arg0: i32, %arg1: i32) -> (i32, i32, i32) {
    %c0_i32 = arith.constant 0 : i32
    %c0_i32_0 = arith.constant 0 : i32
    %c0_i32_1 = arith.constant 0 : i32
    return %arg0, %c0_i32, %c0_i32_0 : i32, i32, i32
  }
  func.func @transform_4(%arg0: i32, %arg1: i32) -> (i32, i32, i32) {
    %c0_i32 = arith.constant 0 : i32
    %c0_i32_0 = arith.constant 0 : i32
    return %arg0, %c0_i32, %arg1 : i32, i32, i32
  }
  func.func @transform_5(%arg0: i32, %arg1: i32) -> (i32, i32) {
    %c0_i32 = arith.constant 0 : i32
    %c0_i32_0 = arith.constant 0 : i32
    %c0_i32_1 = arith.constant 0 : i32
    return %c0_i32, %c0_i32_0 : i32, i32
  }
  func.func @transform_6(%arg0: i32, %arg1: i32) -> (i32, i32) {
    %c0_i32 = arith.constant 0 : i32
    %c0_i32_0 = arith.constant 0 : i32
    %c0_i32_1 = arith.constant 0 : i32
    return %c0_i32, %c0_i32_0 : i32, i32
  }
  func.func @transform_7(%arg0: i32, %arg1: i32) -> (i32, i32) {
    %c0_i32 = arith.constant 0 : i32
    %c0_i32_0 = arith.constant 0 : i32
    %c0_i32_1 = arith.constant 0 : i32
    return %c0_i32, %c0_i32_0 : i32, i32
  }
  func.func @transform_8(%arg0: i32, %arg1: i32) -> (i32, i32) {
    %c0_i32 = arith.constant 0 : i32
    %c0_i32_0 = arith.constant 0 : i32
    %c0_i32_1 = arith.constant 0 : i32
    return %c0_i32, %c0_i32_0 : i32, i32
  }
  func.func @transform_9(%arg0: i32, %arg1: i32) -> (i32, i32) {
    %c0_i32 = arith.constant 0 : i32
    %c0_i32_0 = arith.constant 0 : i32
    %c0_i32_1 = arith.constant 0 : i32
    return %c0_i32, %c0_i32_0 : i32, i32
  }
  func.func @transform_10(%arg0: i32, %arg1: i32) -> (i32, i32, i32) {
    %c0_i32 = arith.constant 0 : i32
    %c0_i32_0 = arith.constant 0 : i32
    return %arg0, %arg1, %c0_i32 : i32, i32, i32
  }
  func.func @transform_11(%arg0: i32, %arg1: i32) -> (i32, i32, i32) {
    %c0_i32 = arith.constant 0 : i32
    %c0_i32_0 = arith.constant 0 : i32
    %c0_i32_1 = arith.constant 0 : i32
    return %arg0, %c0_i32, %c0_i32_0 : i32, i32, i32
  }
  func.func @transform_12(%arg0: i32, %arg1: i32) -> (i32, i32, i32) {
    %c0_i32 = arith.constant 0 : i32
    %c0_i32_0 = arith.constant 0 : i32
    return %arg0, %c0_i32, %arg1 : i32, i32, i32
  }
}

module attributes {stable_mosaic.version = 14 : i64} {
  func.func @_mlp1_body(%arg0: i32, %arg1: i32, %arg2: memref<1x4096x128xf32, #tpu.memory_space<vmem>>, %arg3: memref<1x64x256xf32, #tpu.memory_space<vmem>>, %arg4: memref<1x8x64xf32, #tpu.memory_space<vmem>>) attributes {dimension_semantics = [#tpu.dimension_semantics<parallel>, #tpu.dimension_semantics<arbitrary>], iteration_bounds = array<i64: 2, 8>, scalar_prefetch = 0 : i64, scratch_operands = 0 : i64, tpu.core_type = #tpu.core_type<tc>, window_params = [{transform_indices = @transform_0, window_bounds = array<i64: 1, 4096, 128>}, {transform_indices = @transform_1, window_bounds = array<i64: 1, 64, 256>}, {transform_indices = @transform_2, window_bounds = array<i64: 1, 8, 64>}]} {
    %get3A = arith.constant 0 : index
    %get3A_0 = arith.constant 0 : index
    %get3A_1 = arith.constant 0 : index
    %get3A_2 = vector.load %arg2[%get3A, %get3A_0, %get3A_1] : memref<1x4096x128xf32, #tpu.memory_space<vmem>>, vector<1x4096x128xf32>
    %get3A_3 = vector.shape_cast %get3A_2 : vector<1x4096x128xf32> to vector<4096x128xf32>
    %slice3A = vector.extract_strided_slice %get3A_3 {offsets = [0, 0], sizes = [4096, 64], strides = [1, 1]} : vector<4096x128xf32> to vector<4096x64xf32>
    %get3A_4 = arith.constant 0 : index
    %get3A_5 = arith.constant 0 : index
    %get3A_6 = arith.constant 0 : index
    %get3A_7 = vector.load %arg3[%get3A_4, %get3A_5, %get3A_6] : memref<1x64x256xf32, #tpu.memory_space<vmem>>, vector<1x64x256xf32>
    %get3A_8 = vector.shape_cast %get3A_7 : vector<1x64x256xf32> to vector<64x256xf32>
    %transpose3A = tpu.transpose %get3A_8, [1, 0] : vector<64x256xf32> -> vector<256x64xf32>
    %reshape3A = vector.shape_cast %slice3A : vector<4096x64xf32> to vector<256x16x64xf32>
    %broadcast_in_dim3A = vector.shape_cast %transpose3A : vector<256x64xf32> to vector<256x1x64xf32>
    %add3A = vector.broadcast %broadcast_in_dim3A : vector<256x1x64xf32> to vector<256x16x64xf32>
    %add3A_9 = arith.addf %reshape3A, %add3A : vector<256x16x64xf32>
    %reshape3A_10 = vector.shape_cast %add3A_9 : vector<256x16x64xf32> to vector<4096x64xf32>
    %reduce_sum3A = arith.constant dense<0.000000e+00> : vector<64xf32>
    %reduce_sum3A_11 = vector.multi_reduction <add>, %reshape3A_10, %reduce_sum3A [0] : vector<4096x64xf32> to vector<64xf32>
    %broadcast_in_dim3A_12 = vector.shape_cast %reduce_sum3A_11 : vector<64xf32> to vector<1x64xf32>
    %mul3A = arith.mulf %reshape3A_10, %reshape3A_10 : vector<4096x64xf32>
    %reduce_sum3A_13 = arith.constant dense<0.000000e+00> : vector<64xf32>
    %reduce_sum3A_14 = vector.multi_reduction <add>, %mul3A, %reduce_sum3A_13 [0] : vector<4096x64xf32> to vector<64xf32>
    %broadcast_in_dim3A_15 = vector.shape_cast %reduce_sum3A_14 : vector<64xf32> to vector<1x64xf32>
    %broadcast_in_dim3A_16 = arith.constant 0.000000e+00 : f32
    %broadcast_in_dim3A_17 = vector.broadcast %broadcast_in_dim3A_16 : f32 to vector<6x64xf32>
    %concatenate3A = tpu.concatenate %broadcast_in_dim3A_12, %broadcast_in_dim3A_15, %broadcast_in_dim3A_17 in 0 : vector<1x64xf32>, vector<1x64xf32>, vector<6x64xf32> -> vector<8x64xf32>
    %eq3A = arith.constant 0 : i32
    %eq3A_18 = arith.cmpi eq, %arg1, %eq3A : i32
    %convert_element_type3A = arith.extui %eq3A_18 : i1 to i32
    %cond3A = arith.constant 0 : i32
    %cond3A_19 = arith.cmpi ne, %convert_element_type3A, %cond3A : i32
    scf.if %cond3A_19 {
      %swap3A = arith.constant 0 : index
      %swap3A_24 = arith.constant 0 : index
      %swap3A_25 = arith.constant 0 : index
      %swap3A_26 = vector.load %arg4[%swap3A, %swap3A_24, %swap3A_25] : memref<1x8x64xf32, #tpu.memory_space<vmem>>, vector<1x8x64xf32>
      %swap3A_27 = vector.shape_cast %swap3A_26 : vector<1x8x64xf32> to vector<8x64xf32>
      %swap3A_28 = vector.shape_cast %concatenate3A : vector<8x64xf32> to vector<1x8x64xf32>
      tpu.vector_store %arg4[%swap3A, %swap3A_24, %swap3A_25], %swap3A_28 {strides = array<i32>} : memref<1x8x64xf32, #tpu.memory_space<vmem>>, vector<1x8x64xf32>,
    } else {
    }
    %gt3A = arith.constant 0 : i32
    %gt3A_20 = arith.cmpi sgt, %arg1, %gt3A : i32
    %convert_element_type3A_21 = arith.extui %gt3A_20 : i1 to i32
    %cond3A_22 = arith.constant 0 : i32
    %cond3A_23 = arith.cmpi ne, %convert_element_type3A_21, %cond3A_22 : i32
    scf.if %cond3A_23 {
      %get3A_24 = arith.constant 0 : index
      %get3A_25 = arith.constant 0 : index
      %get3A_26 = arith.constant 0 : index
      %get3A_27 = vector.load %arg4[%get3A_24, %get3A_25, %get3A_26] : memref<1x8x64xf32, #tpu.memory_space<vmem>>, vector<1x8x64xf32>
      %get3A_28 = vector.shape_cast %get3A_27 : vector<1x8x64xf32> to vector<8x64xf32>
      %add3A_29 = arith.addf %get3A_28, %concatenate3A : vector<8x64xf32>
      %swap3A = arith.constant 0 : index
      %swap3A_30 = arith.constant 0 : index
      %swap3A_31 = arith.constant 0 : index
      %swap3A_32 = vector.load %arg4[%swap3A, %swap3A_30, %swap3A_31] : memref<1x8x64xf32, #tpu.memory_space<vmem>>, vector<1x8x64xf32>
      %swap3A_33 = vector.shape_cast %swap3A_32 : vector<1x8x64xf32> to vector<8x64xf32>
      %swap3A_34 = vector.shape_cast %add3A_29 : vector<8x64xf32> to vector<1x8x64xf32>
      tpu.vector_store %arg4[%swap3A, %swap3A_30, %swap3A_31], %swap3A_34 {strides = array<i32>} : memref<1x8x64xf32, #tpu.memory_space<vmem>>, vector<1x8x64xf32>,
    } else {
    }
    return
  }
  func.func @transform_0(%arg0: i32, %arg1: i32) -> (i32, i32, i32) {
    %c0_i32 = arith.constant 0 : i32
    %c0_i32_0 = arith.constant 0 : i32
    return %arg0, %arg1, %c0_i32 : i32, i32, i32
  }
  func.func @transform_1(%arg0: i32, %arg1: i32) -> (i32, i32, i32) {
    %c0_i32 = arith.constant 0 : i32
    %c0_i32_0 = arith.constant 0 : i32
    return %arg0, %c0_i32, %arg1 : i32, i32, i32
  }
  func.func @transform_2(%arg0: i32, %arg1: i32) -> (i32, i32, i32) {
    %c0_i32 = arith.constant 0 : i32
    %c0_i32_0 = arith.constant 0 : i32
    %c0_i32_1 = arith.constant 0 : i32
    return %arg0, %c0_i32, %c0_i32_0 : i32, i32, i32
  }
}

module attributes {stable_mosaic.version = 14 : i64} {
  func.func @_mlp2_body(%arg0: i32, %arg1: i32, %arg2: memref<1x4096x128xf32, #tpu.memory_space<vmem>>, %arg3: memref<1x64x256xf32, #tpu.memory_space<vmem>>, %arg4: memref<1x8x64xf32, #tpu.memory_space<vmem>>, %arg5: memref<1x64xf32, #tpu.memory_space<vmem>>, %arg6: memref<1x64xf32, #tpu.memory_space<vmem>>, %arg7: memref<64x64xf32, #tpu.memory_space<vmem>>, %arg8: memref<1x64xf32, #tpu.memory_space<vmem>>, %arg9: memref<1x8x64xf32, #tpu.memory_space<vmem>>) attributes {dimension_semantics = [#tpu.dimension_semantics<parallel>, #tpu.dimension_semantics<arbitrary>], iteration_bounds = array<i64: 2, 8>, scalar_prefetch = 0 : i64, scratch_operands = 0 : i64, tpu.core_type = #tpu.core_type<tc>, window_params = [{transform_indices = @transform_0, window_bounds = array<i64: 1, 4096, 128>}, {transform_indices = @transform_1, window_bounds = array<i64: 1, 64, 256>}, {transform_indices = @transform_2, window_bounds = array<i64: 1, 8, 64>}, {pipeline_mode = #tpu.pipeline_mode<synchronous>, transform_indices = @transform_3, window_bounds = array<i64: 1, 64>}, {pipeline_mode = #tpu.pipeline_mode<synchronous>, transform_indices = @transform_4, window_bounds = array<i64: 1, 64>}, {pipeline_mode = #tpu.pipeline_mode<synchronous>, transform_indices = @transform_5, window_bounds = array<i64: 64, 64>}, {pipeline_mode = #tpu.pipeline_mode<synchronous>, transform_indices = @transform_6, window_bounds = array<i64: 1, 64>}, {transform_indices = @transform_7, window_bounds = array<i64: 1, 8, 64>}]} {
    %get3A = arith.constant 0 : index
    %get3A_0 = arith.constant 0 : index
    %get3A_1 = arith.constant 0 : index
    %get3A_2 = vector.load %arg4[%get3A, %get3A_0, %get3A_1] : memref<1x8x64xf32, #tpu.memory_space<vmem>>, vector<1x2x64xf32>
    %get3A_3 = vector.shape_cast %get3A_2 : vector<1x2x64xf32> to vector<2x64xf32>
    %iota3A = tpu.iota {dimensions = array<i32: 0>} : vector<64x64xi32>
    %shift_right_arithmetic3A = arith.constant 4 : i32
    %shift_right_arithmetic3A_4 = vector.broadcast %shift_right_arithmetic3A : i32 to vector<64x64xi32>
    %shift_right_arithmetic3A_5 = arith.shrsi %iota3A, %shift_right_arithmetic3A_4 : vector<64x64xi32>
    %iota3A_6 = tpu.iota {dimensions = array<i32: 1>} : vector<64x64xi32>
    %shift_right_arithmetic3A_7 = arith.constant 4 : i32
    %shift_right_arithmetic3A_8 = vector.broadcast %shift_right_arithmetic3A_7 : i32 to vector<64x64xi32>
    %shift_right_arithmetic3A_9 = arith.shrsi %iota3A_6, %shift_right_arithmetic3A_8 : vector<64x64xi32>
    %eq3A = arith.cmpi eq, %shift_right_arithmetic3A_5, %shift_right_arithmetic3A_9 : vector<64x64xi32>
    %convert_element_type3A = arith.extui %eq3A : vector<64x64xi1> to vector<64x64xi32>
    %convert_element_type3A_10 = arith.sitofp %convert_element_type3A : vector<64x64xi32> to vector<64x64xf32>
    %dot_general3A = arith.constant dense<0.000000e+00> : vector<2x64xf32>
    %dot_general3A_11 = tpu.matmul %get3A_3, %convert_element_type3A_10, %dot_general3A {dimension_numbers = #tpu.dot_dimension_numbers<[1], [0], [0], [1], [0, 0, 1, 1], [], []>, transpose_lhs_hint = false} : vector<2x64xf32>, vector<64x64xf32>, vector<2x64xf32> -> vector<2x64xf32>
    %slice3A = vector.extract_strided_slice %dot_general3A_11 {offsets = [0, 0], sizes = [1, 64], strides = [1, 1]} : vector<2x64xf32> to vector<1x64xf32>
    %div3A = arith.constant 5.242880e+05 : f32
    %div3A_12 = vector.broadcast %div3A : f32 to vector<1x64xf32>
    %div3A_13 = arith.divf %slice3A, %div3A_12 : vector<1x64xf32>
    %slice3A_14 = vector.extract_strided_slice %dot_general3A_11 {offsets = [1, 0], sizes = [1, 64], strides = [1, 1]} : vector<2x64xf32> to vector<1x64xf32>
    %div3A_15 = arith.constant 5.242880e+05 : f32
    %div3A_16 = vector.broadcast %div3A_15 : f32 to vector<1x64xf32>
    %div3A_17 = arith.divf %slice3A_14, %div3A_16 : vector<1x64xf32>
    %mul3A = arith.mulf %div3A_13, %div3A_13 : vector<1x64xf32>
    %sub3A = arith.subf %div3A_17, %mul3A : vector<1x64xf32>
    %add3A = arith.constant 9.99999974E-6 : f32
    %add3A_18 = vector.broadcast %add3A : f32 to vector<1x64xf32>
    %add3A_19 = arith.addf %sub3A, %add3A_18 : vector<1x64xf32>
    %sqrt3A = math.sqrt %add3A_19 : vector<1x64xf32>
    %div3A_20 = arith.constant 1.000000e+00 : f32
    %div3A_21 = vector.broadcast %div3A_20 : f32 to vector<1x64xf32>
    %div3A_22 = arith.divf %div3A_21, %sqrt3A : vector<1x64xf32>
    %get3A_23 = arith.constant 0 : index
    %get3A_24 = arith.constant 0 : index
    %get3A_25 = vector.load %arg5[%get3A_23, %get3A_24] : memref<1x64xf32, #tpu.memory_space<vmem>>, vector<1x64xf32>
    %mul3A_26 = arith.mulf %get3A_25, %div3A_22 : vector<1x64xf32>
    %get3A_27 = arith.constant 0 : index
    %get3A_28 = arith.constant 0 : index
    %get3A_29 = vector.load %arg6[%get3A_27, %get3A_28] : memref<1x64xf32, #tpu.memory_space<vmem>>, vector<1x64xf32>
    %mul3A_30 = arith.mulf %div3A_13, %mul3A_26 : vector<1x64xf32>
    %sub3A_31 = arith.subf %get3A_29, %mul3A_30 : vector<1x64xf32>
    %get3A_32 = arith.constant 0 : index
    %get3A_33 = arith.constant 0 : index
    %get3A_34 = arith.constant 0 : index
    %get3A_35 = vector.load %arg2[%get3A_32, %get3A_33, %get3A_34] : memref<1x4096x128xf32, #tpu.memory_space<vmem>>, vector<1x4096x128xf32>
    %get3A_36 = vector.shape_cast %get3A_35 : vector<1x4096x128xf32> to vector<4096x128xf32>
    %slice3A_37 = vector.extract_strided_slice %get3A_36 {offsets = [0, 0], sizes = [4096, 64], strides = [1, 1]} : vector<4096x128xf32> to vector<4096x64xf32>
    %get3A_38 = arith.constant 0 : index
    %get3A_39 = arith.constant 0 : index
    %get3A_40 = arith.constant 0 : index
    %get3A_41 = vector.load %arg3[%get3A_38, %get3A_39, %get3A_40] : memref<1x64x256xf32, #tpu.memory_space<vmem>>, vector<1x64x256xf32>
    %get3A_42 = vector.shape_cast %get3A_41 : vector<1x64x256xf32> to vector<64x256xf32>
    %transpose3A = tpu.transpose %get3A_42, [1, 0] : vector<64x256xf32> -> vector<256x64xf32>
    %reshape3A = vector.shape_cast %slice3A_37 : vector<4096x64xf32> to vector<256x16x64xf32>
    %broadcast_in_dim3A = vector.shape_cast %transpose3A : vector<256x64xf32> to vector<256x1x64xf32>
    %add3A_43 = vector.broadcast %broadcast_in_dim3A : vector<256x1x64xf32> to vector<256x16x64xf32>
    %add3A_44 = arith.addf %reshape3A, %add3A_43 : vector<256x16x64xf32>
    %reshape3A_45 = vector.shape_cast %add3A_44 : vector<256x16x64xf32> to vector<4096x64xf32>
    %mul3A_46 = vector.broadcast %mul3A_26 : vector<1x64xf32> to vector<4096x64xf32>
    %mul3A_47 = arith.mulf %reshape3A_45, %mul3A_46 : vector<4096x64xf32>
    %add3A_48 = vector.broadcast %sub3A_31 : vector<1x64xf32> to vector<4096x64xf32>
    %add3A_49 = arith.addf %mul3A_47, %add3A_48 : vector<4096x64xf32>
    %ge3A = arith.constant 0.000000e+00 : f32
    %ge3A_50 = vector.broadcast %ge3A : f32 to vector<4096x64xf32>
    %ge3A_51 = arith.cmpf oge, %add3A_49, %ge3A_50 : vector<4096x64xf32>
    %mul3A_52 = arith.constant 1.000000e-01 : f32
    %mul3A_53 = vector.broadcast %mul3A_52 : f32 to vector<4096x64xf32>
    %mul3A_54 = arith.mulf %mul3A_53, %add3A_49 : vector<4096x64xf32>
    %select_n3A = arith.select %ge3A_51, %add3A_49, %mul3A_54 : vector<4096x64xi1>, vector<4096x64xf32>
    %get3A_55 = arith.constant 0 : index
    %get3A_56 = arith.constant 0 : index
    %get3A_57 = vector.load %arg7[%get3A_55, %get3A_56] : memref<64x64xf32, #tpu.memory_space<vmem>>, vector<64x64xf32>
    %dot_general3A_58 = arith.constant dense<0.000000e+00> : vector<4096x64xf32>
    %dot_general3A_59 = tpu.matmul %select_n3A, %get3A_57, %dot_general3A_58 {dimension_numbers = #tpu.dot_dimension_numbers<[1], [0], [0], [1], [0, 0, 1, 1], [], []>, transpose_lhs_hint = false} : vector<4096x64xf32>, vector<64x64xf32>, vector<4096x64xf32> -> vector<4096x64xf32>
    %get3A_60 = arith.constant 0 : index
    %get3A_61 = arith.constant 0 : index
    %get3A_62 = vector.load %arg8[%get3A_60, %get3A_61] : memref<1x64xf32, #tpu.memory_space<vmem>>, vector<1x64xf32>
    %add3A_63 = vector.broadcast %get3A_62 : vector<1x64xf32> to vector<4096x64xf32>
    %add3A_64 = arith.addf %dot_general3A_59, %add3A_63 : vector<4096x64xf32>
    %reduce_sum3A = arith.constant dense<0.000000e+00> : vector<64xf32>
    %reduce_sum3A_65 = vector.multi_reduction <add>, %add3A_64, %reduce_sum3A [0] : vector<4096x64xf32> to vector<64xf32>
    %broadcast_in_dim3A_66 = vector.shape_cast %reduce_sum3A_65 : vector<64xf32> to vector<1x64xf32>
    %mul3A_67 = arith.mulf %add3A_64, %add3A_64 : vector<4096x64xf32>
    %reduce_sum3A_68 = arith.constant dense<0.000000e+00> : vector<64xf32>
    %reduce_sum3A_69 = vector.multi_reduction <add>, %mul3A_67, %reduce_sum3A_68 [0] : vector<4096x64xf32> to vector<64xf32>
    %broadcast_in_dim3A_70 = vector.shape_cast %reduce_sum3A_69 : vector<64xf32> to vector<1x64xf32>
    %broadcast_in_dim3A_71 = arith.constant 0.000000e+00 : f32
    %broadcast_in_dim3A_72 = vector.broadcast %broadcast_in_dim3A_71 : f32 to vector<6x64xf32>
    %concatenate3A = tpu.concatenate %broadcast_in_dim3A_66, %broadcast_in_dim3A_70, %broadcast_in_dim3A_72 in 0 : vector<1x64xf32>, vector<1x64xf32>, vector<6x64xf32> -> vector<8x64xf32>
    %eq3A_73 = arith.constant 0 : i32
    %eq3A_74 = arith.cmpi eq, %arg1, %eq3A_73 : i32
    %convert_element_type3A_75 = arith.extui %eq3A_74 : i1 to i32
    %cond3A = arith.constant 0 : i32
    %cond3A_76 = arith.cmpi ne, %convert_element_type3A_75, %cond3A : i32
    scf.if %cond3A_76 {
      %swap3A = arith.constant 0 : index
      %swap3A_81 = arith.constant 0 : index
      %swap3A_82 = arith.constant 0 : index
      %swap3A_83 = vector.load %arg9[%swap3A, %swap3A_81, %swap3A_82] : memref<1x8x64xf32, #tpu.memory_space<vmem>>, vector<1x8x64xf32>
      %swap3A_84 = vector.shape_cast %swap3A_83 : vector<1x8x64xf32> to vector<8x64xf32>
      %swap3A_85 = vector.shape_cast %concatenate3A : vector<8x64xf32> to vector<1x8x64xf32>
      tpu.vector_store %arg9[%swap3A, %swap3A_81, %swap3A_82], %swap3A_85 {strides = array<i32>} : memref<1x8x64xf32, #tpu.memory_space<vmem>>, vector<1x8x64xf32>,
    } else {
    }
    %gt3A = arith.constant 0 : i32
    %gt3A_77 = arith.cmpi sgt, %arg1, %gt3A : i32
    %convert_element_type3A_78 = arith.extui %gt3A_77 : i1 to i32
    %cond3A_79 = arith.constant 0 : i32
    %cond3A_80 = arith.cmpi ne, %convert_element_type3A_78, %cond3A_79 : i32
    scf.if %cond3A_80 {
      %get3A_81 = arith.constant 0 : index
      %get3A_82 = arith.constant 0 : index
      %get3A_83 = arith.constant 0 : index
      %get3A_84 = vector.load %arg9[%get3A_81, %get3A_82, %get3A_83] : memref<1x8x64xf32, #tpu.memory_space<vmem>>, vector<1x8x64xf32>
      %get3A_85 = vector.shape_cast %get3A_84 : vector<1x8x64xf32> to vector<8x64xf32>
      %add3A_86 = arith.addf %get3A_85, %concatenate3A : vector<8x64xf32>
      %swap3A = arith.constant 0 : index
      %swap3A_87 = arith.constant 0 : index
      %swap3A_88 = arith.constant 0 : index
      %swap3A_89 = vector.load %arg9[%swap3A, %swap3A_87, %swap3A_88] : memref<1x8x64xf32, #tpu.memory_space<vmem>>, vector<1x8x64xf32>
      %swap3A_90 = vector.shape_cast %swap3A_89 : vector<1x8x64xf32> to vector<8x64xf32>
      %swap3A_91 = vector.shape_cast %add3A_86 : vector<8x64xf32> to vector<1x8x64xf32>
      tpu.vector_store %arg9[%swap3A, %swap3A_87, %swap3A_88], %swap3A_91 {strides = array<i32>} : memref<1x8x64xf32, #tpu.memory_space<vmem>>, vector<1x8x64xf32>,
    } else {
    }
    return
  }
  func.func @transform_0(%arg0: i32, %arg1: i32) -> (i32, i32, i32) {
    %c0_i32 = arith.constant 0 : i32
    %c0_i32_0 = arith.constant 0 : i32
    return %arg0, %arg1, %c0_i32 : i32, i32, i32
  }
  func.func @transform_1(%arg0: i32, %arg1: i32) -> (i32, i32, i32) {
    %c0_i32 = arith.constant 0 : i32
    %c0_i32_0 = arith.constant 0 : i32
    return %arg0, %c0_i32, %arg1 : i32, i32, i32
  }
  func.func @transform_2(%arg0: i32, %arg1: i32) -> (i32, i32, i32) {
    %c0_i32 = arith.constant 0 : i32
    %c0_i32_0 = arith.constant 0 : i32
    %c0_i32_1 = arith.constant 0 : i32
    return %arg0, %c0_i32, %c0_i32_0 : i32, i32, i32
  }
  func.func @transform_3(%arg0: i32, %arg1: i32) -> (i32, i32) {
    %c0_i32 = arith.constant 0 : i32
    %c0_i32_0 = arith.constant 0 : i32
    %c0_i32_1 = arith.constant 0 : i32
    return %c0_i32, %c0_i32_0 : i32, i32
  }
  func.func @transform_4(%arg0: i32, %arg1: i32) -> (i32, i32) {
    %c0_i32 = arith.constant 0 : i32
    %c0_i32_0 = arith.constant 0 : i32
    %c0_i32_1 = arith.constant 0 : i32
    return %c0_i32, %c0_i32_0 : i32, i32
  }
  func.func @transform_5(%arg0: i32, %arg1: i32) -> (i32, i32) {
    %c0_i32 = arith.constant 0 : i32
    %c0_i32_0 = arith.constant 0 : i32
    %c0_i32_1 = arith.constant 0 : i32
    return %c0_i32, %c0_i32_0 : i32, i32
  }
  func.func @transform_6(%arg0: i32, %arg1: i32) -> (i32, i32) {
    %c0_i32 = arith.constant 0 : i32
    %c0_i32_0 = arith.constant 0 : i32
    %c0_i32_1 = arith.constant 0 : i32
    return %c0_i32, %c0_i32_0 : i32, i32
  }
  func.func @transform_7(%arg0: i32, %arg1: i32) -> (i32, i32, i32) {
    %c0_i32 = arith.constant 0 : i32
    %c0_i32_0 = arith.constant 0 : i32
    %c0_i32_1 = arith.constant 0 : i32
    return %arg0, %c0_i32, %c0_i32_0 : i32, i32, i32
  }
}

module attributes {stable_mosaic.version = 14 : i64} {
  func.func @_mlp3_body(%arg0: i32, %arg1: i32, %arg2: memref<1x4096x128xf32, #tpu.memory_space<vmem>>, %arg3: memref<1x64x256xf32, #tpu.memory_space<vmem>>, %arg4: memref<1x8x64xf32, #tpu.memory_space<vmem>>, %arg5: memref<1x64xf32, #tpu.memory_space<vmem>>, %arg6: memref<1x64xf32, #tpu.memory_space<vmem>>, %arg7: memref<64x64xf32, #tpu.memory_space<vmem>>, %arg8: memref<1x64xf32, #tpu.memory_space<vmem>>, %arg9: memref<1x8x64xf32, #tpu.memory_space<vmem>>, %arg10: memref<1x64xf32, #tpu.memory_space<vmem>>, %arg11: memref<1x64xf32, #tpu.memory_space<vmem>>, %arg12: memref<1x64x256xf32, #tpu.memory_space<vmem>>) attributes {dimension_semantics = [#tpu.dimension_semantics<parallel>, #tpu.dimension_semantics<arbitrary>], iteration_bounds = array<i64: 2, 8>, scalar_prefetch = 0 : i64, scratch_operands = 0 : i64, tpu.core_type = #tpu.core_type<tc>, window_params = [{transform_indices = @transform_0, window_bounds = array<i64: 1, 4096, 128>}, {transform_indices = @transform_1, window_bounds = array<i64: 1, 64, 256>}, {transform_indices = @transform_2, window_bounds = array<i64: 1, 8, 64>}, {pipeline_mode = #tpu.pipeline_mode<synchronous>, transform_indices = @transform_3, window_bounds = array<i64: 1, 64>}, {pipeline_mode = #tpu.pipeline_mode<synchronous>, transform_indices = @transform_4, window_bounds = array<i64: 1, 64>}, {pipeline_mode = #tpu.pipeline_mode<synchronous>, transform_indices = @transform_5, window_bounds = array<i64: 64, 64>}, {pipeline_mode = #tpu.pipeline_mode<synchronous>, transform_indices = @transform_6, window_bounds = array<i64: 1, 64>}, {transform_indices = @transform_7, window_bounds = array<i64: 1, 8, 64>}, {pipeline_mode = #tpu.pipeline_mode<synchronous>, transform_indices = @transform_8, window_bounds = array<i64: 1, 64>}, {pipeline_mode = #tpu.pipeline_mode<synchronous>, transform_indices = @transform_9, window_bounds = array<i64: 1, 64>}, {transform_indices = @transform_10, window_bounds = array<i64: 1, 64, 256>}]} {
    %get3A = arith.constant 0 : index
    %get3A_0 = arith.constant 0 : index
    %get3A_1 = arith.constant 0 : index
    %get3A_2 = vector.load %arg4[%get3A, %get3A_0, %get3A_1] : memref<1x8x64xf32, #tpu.memory_space<vmem>>, vector<1x2x64xf32>
    %get3A_3 = vector.shape_cast %get3A_2 : vector<1x2x64xf32> to vector<2x64xf32>
    %iota3A = tpu.iota {dimensions = array<i32: 0>} : vector<64x64xi32>
    %shift_right_arithmetic3A = arith.constant 4 : i32
    %shift_right_arithmetic3A_4 = vector.broadcast %shift_right_arithmetic3A : i32 to vector<64x64xi32>
    %shift_right_arithmetic3A_5 = arith.shrsi %iota3A, %shift_right_arithmetic3A_4 : vector<64x64xi32>
    %iota3A_6 = tpu.iota {dimensions = array<i32: 1>} : vector<64x64xi32>
    %shift_right_arithmetic3A_7 = arith.constant 4 : i32
    %shift_right_arithmetic3A_8 = vector.broadcast %shift_right_arithmetic3A_7 : i32 to vector<64x64xi32>
    %shift_right_arithmetic3A_9 = arith.shrsi %iota3A_6, %shift_right_arithmetic3A_8 : vector<64x64xi32>
    %eq3A = arith.cmpi eq, %shift_right_arithmetic3A_5, %shift_right_arithmetic3A_9 : vector<64x64xi32>
    %convert_element_type3A = arith.extui %eq3A : vector<64x64xi1> to vector<64x64xi32>
    %convert_element_type3A_10 = arith.sitofp %convert_element_type3A : vector<64x64xi32> to vector<64x64xf32>
    %dot_general3A = arith.constant dense<0.000000e+00> : vector<2x64xf32>
    %dot_general3A_11 = tpu.matmul %get3A_3, %convert_element_type3A_10, %dot_general3A {dimension_numbers = #tpu.dot_dimension_numbers<[1], [0], [0], [1], [0, 0, 1, 1], [], []>, transpose_lhs_hint = false} : vector<2x64xf32>, vector<64x64xf32>, vector<2x64xf32> -> vector<2x64xf32>
    %slice3A = vector.extract_strided_slice %dot_general3A_11 {offsets = [0, 0], sizes = [1, 64], strides = [1, 1]} : vector<2x64xf32> to vector<1x64xf32>
    %div3A = arith.constant 5.242880e+05 : f32
    %div3A_12 = vector.broadcast %div3A : f32 to vector<1x64xf32>
    %div3A_13 = arith.divf %slice3A, %div3A_12 : vector<1x64xf32>
    %slice3A_14 = vector.extract_strided_slice %dot_general3A_11 {offsets = [1, 0], sizes = [1, 64], strides = [1, 1]} : vector<2x64xf32> to vector<1x64xf32>
    %div3A_15 = arith.constant 5.242880e+05 : f32
    %div3A_16 = vector.broadcast %div3A_15 : f32 to vector<1x64xf32>
    %div3A_17 = arith.divf %slice3A_14, %div3A_16 : vector<1x64xf32>
    %mul3A = arith.mulf %div3A_13, %div3A_13 : vector<1x64xf32>
    %sub3A = arith.subf %div3A_17, %mul3A : vector<1x64xf32>
    %add3A = arith.constant 9.99999974E-6 : f32
    %add3A_18 = vector.broadcast %add3A : f32 to vector<1x64xf32>
    %add3A_19 = arith.addf %sub3A, %add3A_18 : vector<1x64xf32>
    %sqrt3A = math.sqrt %add3A_19 : vector<1x64xf32>
    %div3A_20 = arith.constant 1.000000e+00 : f32
    %div3A_21 = vector.broadcast %div3A_20 : f32 to vector<1x64xf32>
    %div3A_22 = arith.divf %div3A_21, %sqrt3A : vector<1x64xf32>
    %get3A_23 = arith.constant 0 : index
    %get3A_24 = arith.constant 0 : index
    %get3A_25 = vector.load %arg5[%get3A_23, %get3A_24] : memref<1x64xf32, #tpu.memory_space<vmem>>, vector<1x64xf32>
    %mul3A_26 = arith.mulf %get3A_25, %div3A_22 : vector<1x64xf32>
    %get3A_27 = arith.constant 0 : index
    %get3A_28 = arith.constant 0 : index
    %get3A_29 = vector.load %arg6[%get3A_27, %get3A_28] : memref<1x64xf32, #tpu.memory_space<vmem>>, vector<1x64xf32>
    %mul3A_30 = arith.mulf %div3A_13, %mul3A_26 : vector<1x64xf32>
    %sub3A_31 = arith.subf %get3A_29, %mul3A_30 : vector<1x64xf32>
    %get3A_32 = arith.constant 0 : index
    %get3A_33 = arith.constant 0 : index
    %get3A_34 = arith.constant 0 : index
    %get3A_35 = vector.load %arg9[%get3A_32, %get3A_33, %get3A_34] : memref<1x8x64xf32, #tpu.memory_space<vmem>>, vector<1x2x64xf32>
    %get3A_36 = vector.shape_cast %get3A_35 : vector<1x2x64xf32> to vector<2x64xf32>
    %iota3A_37 = tpu.iota {dimensions = array<i32: 0>} : vector<64x64xi32>
    %shift_right_arithmetic3A_38 = arith.constant 4 : i32
    %shift_right_arithmetic3A_39 = vector.broadcast %shift_right_arithmetic3A_38 : i32 to vector<64x64xi32>
    %shift_right_arithmetic3A_40 = arith.shrsi %iota3A_37, %shift_right_arithmetic3A_39 : vector<64x64xi32>
    %iota3A_41 = tpu.iota {dimensions = array<i32: 1>} : vector<64x64xi32>
    %shift_right_arithmetic3A_42 = arith.constant 4 : i32
    %shift_right_arithmetic3A_43 = vector.broadcast %shift_right_arithmetic3A_42 : i32 to vector<64x64xi32>
    %shift_right_arithmetic3A_44 = arith.shrsi %iota3A_41, %shift_right_arithmetic3A_43 : vector<64x64xi32>
    %eq3A_45 = arith.cmpi eq, %shift_right_arithmetic3A_40, %shift_right_arithmetic3A_44 : vector<64x64xi32>
    %convert_element_type3A_46 = arith.extui %eq3A_45 : vector<64x64xi1> to vector<64x64xi32>
    %convert_element_type3A_47 = arith.sitofp %convert_element_type3A_46 : vector<64x64xi32> to vector<64x64xf32>
    %dot_general3A_48 = arith.constant dense<0.000000e+00> : vector<2x64xf32>
    %dot_general3A_49 = tpu.matmul %get3A_36, %convert_element_type3A_47, %dot_general3A_48 {dimension_numbers = #tpu.dot_dimension_numbers<[1], [0], [0], [1], [0, 0, 1, 1], [], []>, transpose_lhs_hint = false} : vector<2x64xf32>, vector<64x64xf32>, vector<2x64xf32> -> vector<2x64xf32>
    %slice3A_50 = vector.extract_strided_slice %dot_general3A_49 {offsets = [0, 0], sizes = [1, 64], strides = [1, 1]} : vector<2x64xf32> to vector<1x64xf32>
    %div3A_51 = arith.constant 5.242880e+05 : f32
    %div3A_52 = vector.broadcast %div3A_51 : f32 to vector<1x64xf32>
    %div3A_53 = arith.divf %slice3A_50, %div3A_52 : vector<1x64xf32>
    %slice3A_54 = vector.extract_strided_slice %dot_general3A_49 {offsets = [1, 0], sizes = [1, 64], strides = [1, 1]} : vector<2x64xf32> to vector<1x64xf32>
    %div3A_55 = arith.constant 5.242880e+05 : f32
    %div3A_56 = vector.broadcast %div3A_55 : f32 to vector<1x64xf32>
    %div3A_57 = arith.divf %slice3A_54, %div3A_56 : vector<1x64xf32>
    %mul3A_58 = arith.mulf %div3A_53, %div3A_53 : vector<1x64xf32>
    %sub3A_59 = arith.subf %div3A_57, %mul3A_58 : vector<1x64xf32>
    %add3A_60 = arith.constant 9.99999974E-6 : f32
    %add3A_61 = vector.broadcast %add3A_60 : f32 to vector<1x64xf32>
    %add3A_62 = arith.addf %sub3A_59, %add3A_61 : vector<1x64xf32>
    %sqrt3A_63 = math.sqrt %add3A_62 : vector<1x64xf32>
    %div3A_64 = arith.constant 1.000000e+00 : f32
    %div3A_65 = vector.broadcast %div3A_64 : f32 to vector<1x64xf32>
    %div3A_66 = arith.divf %div3A_65, %sqrt3A_63 : vector<1x64xf32>
    %get3A_67 = arith.constant 0 : index
    %get3A_68 = arith.constant 0 : index
    %get3A_69 = vector.load %arg10[%get3A_67, %get3A_68] : memref<1x64xf32, #tpu.memory_space<vmem>>, vector<1x64xf32>
    %mul3A_70 = arith.mulf %get3A_69, %div3A_66 : vector<1x64xf32>
    %get3A_71 = arith.constant 0 : index
    %get3A_72 = arith.constant 0 : index
    %get3A_73 = vector.load %arg11[%get3A_71, %get3A_72] : memref<1x64xf32, #tpu.memory_space<vmem>>, vector<1x64xf32>
    %mul3A_74 = arith.mulf %div3A_53, %mul3A_70 : vector<1x64xf32>
    %sub3A_75 = arith.subf %get3A_73, %mul3A_74 : vector<1x64xf32>
    %get3A_76 = arith.constant 0 : index
    %get3A_77 = arith.constant 0 : index
    %get3A_78 = arith.constant 0 : index
    %get3A_79 = vector.load %arg2[%get3A_76, %get3A_77, %get3A_78] : memref<1x4096x128xf32, #tpu.memory_space<vmem>>, vector<1x4096x128xf32>
    %get3A_80 = vector.shape_cast %get3A_79 : vector<1x4096x128xf32> to vector<4096x128xf32>
    %slice3A_81 = vector.extract_strided_slice %get3A_80 {offsets = [0, 0], sizes = [4096, 64], strides = [1, 1]} : vector<4096x128xf32> to vector<4096x64xf32>
    %get3A_82 = arith.constant 0 : index
    %get3A_83 = arith.constant 0 : index
    %get3A_84 = arith.constant 0 : index
    %get3A_85 = vector.load %arg3[%get3A_82, %get3A_83, %get3A_84] : memref<1x64x256xf32, #tpu.memory_space<vmem>>, vector<1x64x256xf32>
    %get3A_86 = vector.shape_cast %get3A_85 : vector<1x64x256xf32> to vector<64x256xf32>
    %transpose3A = tpu.transpose %get3A_86, [1, 0] : vector<64x256xf32> -> vector<256x64xf32>
    %reshape3A = vector.shape_cast %slice3A_81 : vector<4096x64xf32> to vector<256x16x64xf32>
    %broadcast_in_dim3A = vector.shape_cast %transpose3A : vector<256x64xf32> to vector<256x1x64xf32>
    %add3A_87 = vector.broadcast %broadcast_in_dim3A : vector<256x1x64xf32> to vector<256x16x64xf32>
    %add3A_88 = arith.addf %reshape3A, %add3A_87 : vector<256x16x64xf32>
    %reshape3A_89 = vector.shape_cast %add3A_88 : vector<256x16x64xf32> to vector<4096x64xf32>
    %mul3A_90 = vector.broadcast %mul3A_26 : vector<1x64xf32> to vector<4096x64xf32>
    %mul3A_91 = arith.mulf %reshape3A_89, %mul3A_90 : vector<4096x64xf32>
    %add3A_92 = vector.broadcast %sub3A_31 : vector<1x64xf32> to vector<4096x64xf32>
    %add3A_93 = arith.addf %mul3A_91, %add3A_92 : vector<4096x64xf32>
    %ge3A = arith.constant 0.000000e+00 : f32
    %ge3A_94 = vector.broadcast %ge3A : f32 to vector<4096x64xf32>
    %ge3A_95 = arith.cmpf oge, %add3A_93, %ge3A_94 : vector<4096x64xf32>
    %mul3A_96 = arith.constant 1.000000e-01 : f32
    %mul3A_97 = vector.broadcast %mul3A_96 : f32 to vector<4096x64xf32>
    %mul3A_98 = arith.mulf %mul3A_97, %add3A_93 : vector<4096x64xf32>
    %select_n3A = arith.select %ge3A_95, %add3A_93, %mul3A_98 : vector<4096x64xi1>, vector<4096x64xf32>
    %get3A_99 = arith.constant 0 : index
    %get3A_100 = arith.constant 0 : index
    %get3A_101 = vector.load %arg7[%get3A_99, %get3A_100] : memref<64x64xf32, #tpu.memory_space<vmem>>, vector<64x64xf32>
    %dot_general3A_102 = arith.constant dense<0.000000e+00> : vector<4096x64xf32>
    %dot_general3A_103 = tpu.matmul %select_n3A, %get3A_101, %dot_general3A_102 {dimension_numbers = #tpu.dot_dimension_numbers<[1], [0], [0], [1], [0, 0, 1, 1], [], []>, transpose_lhs_hint = false} : vector<4096x64xf32>, vector<64x64xf32>, vector<4096x64xf32> -> vector<4096x64xf32>
    %get3A_104 = arith.constant 0 : index
    %get3A_105 = arith.constant 0 : index
    %get3A_106 = vector.load %arg8[%get3A_104, %get3A_105] : memref<1x64xf32, #tpu.memory_space<vmem>>, vector<1x64xf32>
    %add3A_107 = vector.broadcast %get3A_106 : vector<1x64xf32> to vector<4096x64xf32>
    %add3A_108 = arith.addf %dot_general3A_103, %add3A_107 : vector<4096x64xf32>
    %mul3A_109 = vector.broadcast %mul3A_70 : vector<1x64xf32> to vector<4096x64xf32>
    %mul3A_110 = arith.mulf %add3A_108, %mul3A_109 : vector<4096x64xf32>
    %add3A_111 = vector.broadcast %sub3A_75 : vector<1x64xf32> to vector<4096x64xf32>
    %add3A_112 = arith.addf %mul3A_110, %add3A_111 : vector<4096x64xf32>
    %ge3A_113 = arith.constant 0.000000e+00 : f32
    %ge3A_114 = vector.broadcast %ge3A_113 : f32 to vector<4096x64xf32>
    %ge3A_115 = arith.cmpf oge, %add3A_112, %ge3A_114 : vector<4096x64xf32>
    %mul3A_116 = arith.constant 1.000000e-01 : f32
    %mul3A_117 = vector.broadcast %mul3A_116 : f32 to vector<4096x64xf32>
    %mul3A_118 = arith.mulf %mul3A_117, %add3A_112 : vector<4096x64xf32>
    %select_n3A_119 = arith.select %ge3A_115, %add3A_112, %mul3A_118 : vector<4096x64xi1>, vector<4096x64xf32>
    %reshape3A_120 = vector.shape_cast %select_n3A_119 : vector<4096x64xf32> to vector<256x16x64xf32>
    %reduce_max3A = arith.constant dense<0xFF800000> : vector<256x64xf32>
    %reduce_max3A_121 = vector.multi_reduction <maximumf>, %reshape3A_120, %reduce_max3A [1] : vector<256x16x64xf32> to vector<256x64xf32>
    %transpose3A_122 = tpu.transpose %reduce_max3A_121, [1, 0] : vector<256x64xf32> -> vector<64x256xf32>
    %swap3A = arith.constant 0 : index
    %swap3A_123 = arith.constant 0 : index
    %swap3A_124 = arith.constant 0 : index
    %swap3A_125 = vector.load %arg12[%swap3A, %swap3A_123, %swap3A_124] : memref<1x64x256xf32, #tpu.memory_space<vmem>>, vector<1x64x256xf32>
    %swap3A_126 = vector.shape_cast %swap3A_125 : vector<1x64x256xf32> to vector<64x256xf32>
    %swap3A_127 = vector.shape_cast %transpose3A_122 : vector<64x256xf32> to vector<1x64x256xf32>
    tpu.vector_store %arg12[%swap3A, %swap3A_123, %swap3A_124], %swap3A_127 {strides = array<i32>} : memref<1x64x256xf32, #tpu.memory_space<vmem>>, vector<1x64x256xf32>,
    return
  }
  func.func @transform_0(%arg0: i32, %arg1: i32) -> (i32, i32, i32) {
    %c0_i32 = arith.constant 0 : i32
    %c0_i32_0 = arith.constant 0 : i32
    return %arg0, %arg1, %c0_i32 : i32, i32, i32
  }
  func.func @transform_1(%arg0: i32, %arg1: i32) -> (i32, i32, i32) {
    %c0_i32 = arith.constant 0 : i32
    %c0_i32_0 = arith.constant 0 : i32
    return %arg0, %c0_i32, %arg1 : i32, i32, i32
  }
  func.func @transform_2(%arg0: i32, %arg1: i32) -> (i32, i32, i32) {
    %c0_i32 = arith.constant 0 : i32
    %c0_i32_0 = arith.constant 0 : i32
    %c0_i32_1 = arith.constant 0 : i32
    return %arg0, %c0_i32, %c0_i32_0 : i32, i32, i32
  }
  func.func @transform_3(%arg0: i32, %arg1: i32) -> (i32, i32) {
    %c0_i32 = arith.constant 0 : i32
    %c0_i32_0 = arith.constant 0 : i32
    %c0_i32_1 = arith.constant 0 : i32
    return %c0_i32, %c0_i32_0 : i32, i32
  }
  func.func @transform_4(%arg0: i32, %arg1: i32) -> (i32, i32) {
    %c0_i32 = arith.constant 0 : i32
    %c0_i32_0 = arith.constant 0 : i32
    %c0_i32_1 = arith.constant 0 : i32
    return %c0_i32, %c0_i32_0 : i32, i32
  }
  func.func @transform_5(%arg0: i32, %arg1: i32) -> (i32, i32) {
    %c0_i32 = arith.constant 0 : i32
    %c0_i32_0 = arith.constant 0 : i32
    %c0_i32_1 = arith.constant 0 : i32
    return %c0_i32, %c0_i32_0 : i32, i32
  }
  func.func @transform_6(%arg0: i32, %arg1: i32) -> (i32, i32) {
    %c0_i32 = arith.constant 0 : i32
    %c0_i32_0 = arith.constant 0 : i32
    %c0_i32_1 = arith.constant 0 : i32
    return %c0_i32, %c0_i32_0 : i32, i32
  }
  func.func @transform_7(%arg0: i32, %arg1: i32) -> (i32, i32, i32) {
    %c0_i32 = arith.constant 0 : i32
    %c0_i32_0 = arith.constant 0 : i32
    %c0_i32_1 = arith.constant 0 : i32
    return %arg0, %c0_i32, %c0_i32_0 : i32, i32, i32
  }
  func.func @transform_8(%arg0: i32, %arg1: i32) -> (i32, i32) {
    %c0_i32 = arith.constant 0 : i32
    %c0_i32_0 = arith.constant 0 : i32
    %c0_i32_1 = arith.constant 0 : i32
    return %c0_i32, %c0_i32_0 : i32, i32
  }
  func.func @transform_9(%arg0: i32, %arg1: i32) -> (i32, i32) {
    %c0_i32 = arith.constant 0 : i32
    %c0_i32_0 = arith.constant 0 : i32
    %c0_i32_1 = arith.constant 0 : i32
    return %c0_i32, %c0_i32_0 : i32, i32
  }
  func.func @transform_10(%arg0: i32, %arg1: i32) -> (i32, i32, i32) {
    %c0_i32 = arith.constant 0 : i32
    %c0_i32_0 = arith.constant 0 : i32
    return %arg0, %c0_i32, %arg1 : i32, i32, i32
  }
}

</mosaic_0001>

<sc_bundles>
// kernel: kernel.7.cloned.1.call-start
scs
__scs_entry_jumppad:
0x0: {  	(pc) =	sbr.rel $0x88, $3  }
0x1: {  	(tag) =	ssettag $0x0;
	lr =	simm.s32 $0x1  }
0x2: {  	[smem:$0x3F95] =	sst lr;
	_ =	strace $0xD0000000  }
0x3: {  	_ = 	snop  }
0x4: {  	_ = 	snop  }
0x5: {  	_ = 	snop  }
0x6: {  	_ = 	snop  }
0x7: {  	_ = 	snop  }
__scs_overlays_trampoline_lowered:
0x8: {  	[smem:$0x3FA4] =	sst s0  }
0x9: {  	[smem:$0x3FA5] =	sst s1  }
0xa: {  	[smem:$0x3FA6] =	sst s2  }
0xb: {  	[smem:$0x3FA7] =	sst s3  }
0xc: {  	[smem:$0x3FA8] =	sst s4  }
0xd: {  	[smem:$0x3FA9] =	sst s5  }
0xe: {  	[smem:$0x3FAA] =	sst s6  }
0xf: {  	[smem:$0x3FAB] =	sst s7  }
0x10: {  	[smem:$0x3FAC] =	sst s8  }
0x11: {  	[smem:$0x3FAD] =	sst s9;
	s0 =	simm.s32 @!p0 $0x0  }
0x12: {  	s1 =	sld [smem:$0x3F93];
	s0 =	simm.s32 @p0 $0x1  }
0x13: {  	[smem:$0x3FAE] =	sst s0;
	s0 =	simm.s32 @!p1 $0x0  }
0x14: {  	s2 =	sld [smem:$0x3F92];
	s0 =	simm.s32 @p1 $0x1  }
0x15: {  	[smem:$0x3FAF] =	sst s0;
	s0 =	simm.s32 @!p2 $0x0  }
0x16: {  	s3 =	sld [smem:$0x3FDB];
	s0 =	simm.s32 @p2 $0x1  }
0x17: {  	s4 =	simm.s32 $0x1BF5;
	[smem:$0x3FB1] =	sst s0  }
0x18: {  	s0 =	sld [smem:$0x3F94];
	_ =	swait.ge [sflag:s4], $0x0  }
0x19: {  	s7 =	sld [smem:$0x3F95]  }
0x1a: {  	s8 =	sadd.s32 $0xFFFFE003, lr  }
0x1b: {  	s9 =	sadd.s32 $0xFFFFFEF7, lr;
	s5 =	simm.s32 $0xFFFFFFFF;
	p2 =	slt.u32 s8, $0xFFFFF086  }
0x1c: {  	p1 =	slt.u32 s9, $0xF7A;
	s5 =	simm.s32 @!p2 $0x0  }
0x1d: {  	s5 =	simm.s32 @p1 $0x1;
	p0 =	seq.s32 s7, s2  }
0x1e: {  	s7 =	smul.u32 @!p0 $0xF7A, s2;
	p2 =	seq.s32 @!p0 s5, $0x0  }
0x1f: {  	s9 =	smul.u32 $0xF7A, s1;
	s8 =	simm.s32 @!p0 $0x1BF5;
	p2 =	por !p2, p0  }
0x20: {  	[sflag:s8] =	ssyncset.s32 @!p0 $0xFFFFF086;
	s6 =	sadd.s32 @!p0 s3, s7;
	s7 =	simm.s32 @!p0 $0x108  }
0x21: {  	s3 =	sadd.s32 s3, s9;
	s6 =	sadd.s32 @!p0 $0x88, s6;
	s7 =	simm.s32 @p2 $0x1082  }
0x22: {  	[simem:s7], [sflag:s8] =	dma.local @!p0 [hbm:s6], $0xF7A  }
0x23: {  	s9 =	sor.u32 $0xD0000000, s2;
	s6 =	simm.s32 $0x108;
	_ =	swait.ge @!p0 [sflag:s8], $0x0  }
0x24: {  	s3 =	sadd.s32 $0x88, s3;
	s6 =	simm.s32 @!p1 $0x1082;
	[sflag:s4] =	ssyncset.s32 $0xFFFFF086  }
0x25: {  	[simem:s6], [sflag:s4] =	dma.local [hbm:s3], $0xF7A  }
0x26: {  	[smem:$0x3F95] =	sst s1;
	(tag) =	ssettag s2;
	_ =	strace s9  }
0x27: {  	s1 =	sld [smem:$0x3FA5]  }
0x28: {  	s2 =	sld [smem:$0x3FA6]  }
0x29: {  	s4 =	sld [smem:$0x3FA8]  }
0x2a: {  	p0 =	seq.s32 s5, $0x0;
	s5 =	sld [smem:$0x3FA9]  }
0x2b: {  	s6 =	sld [smem:$0x3FAA]  }
0x2c: {  	s7 =	sld [smem:$0x3FAB]  }
0x2d: {  	s3 =	simm.s32 $0x108;
	s8 =	sld [smem:$0x3FAC]  }
0x2e: {  	s3 =	simm.s32 @!p0 $0x1082;
	s9 =	sld [smem:$0x3FAD]  }
0x2f: {  	lr =	sadd.s32 s0, s3;
	s0 =	sld [smem:$0x3FA4]  }
0x30: {  	s3 =	sld [smem:$0x3FA7]  }
0x31: {  	[smem:$0x3FB0] =	sst s10  }
0x32: {  	s10 =	sld [smem:$0x3FAE];
	_ =	sdelay $0x3  }
0x33: {  	p0 =	seq.s32 s10, $0x1;
	s10 =	sld [smem:$0x3FB0];
	_ =	sdelay $0x3  }
0x34: {  	[smem:$0x3FB0] =	sst s10  }
0x35: {  	s10 =	sld [smem:$0x3FAF];
	_ =	sdelay $0x3  }
0x36: {  	p1 =	seq.s32 s10, $0x1;
	s10 =	sld [smem:$0x3FB0];
	_ =	sdelay $0x3  }
0x37: {  	[smem:$0x3FB0] =	sst s10  }
0x38: {  	s10 =	sld [smem:$0x3FB1]  }
0x39: {  	_ = 	snop;
	(pc) =	sbr.ind lr, $3  }
0x3a: {  	_ = 	snop  }
0x3b: {  	_ = 	snop  }
0x3c: {  	p2 =	seq.s32 s10, $0x1;
	s10 =	sld [smem:$0x3FB0]  }
0x3d: {  	_ =	shalt  }
0x3e: {  	_ =	shalt  }
0x3f: {  	_ =	shalt  }
0x40: {  	_ =	shalt  }
0x41: {  	_ =	shalt  }
0x42: {  	_ =	shalt  }
0x43: {  	_ =	shalt  }
0x44: {  	_ =	shalt  }
0x45: {  	_ =	shalt  }
0x46: {  	_ =	shalt  }
0x47: {  	_ =	shalt  }
0x48: {  	_ =	shalt  }
0x49: {  	_ =	shalt  }
0x4a: {  	_ =	shalt  }
0x4b: {  	_ =	shalt  }
0x4c: {  	_ =	shalt  }
0x4d: {  	_ =	shalt  }
0x4e: {  	_ =	shalt  }
0x4f: {  	_ =	shalt  }
0x50: {  	_ =	shalt  }
0x51: {  	_ =	shalt  }
0x52: {  	_ =	shalt  }
0x53: {  	_ =	shalt  }
0x54: {  	_ =	shalt  }
0x55: {  	_ =	shalt  }
0x56: {  	_ =	shalt  }
0x57: {  	_ =	shalt  }
0x58: {  	_ =	shalt  }
0x59: {  	_ =	shalt  }
0x5a: {  	_ =	shalt  }
0x5b: {  	_ =	shalt  }
0x5c: {  	_ =	shalt  }
0x5d: {  	_ =	shalt  }
0x5e: {  	_ =	shalt  }
0x5f: {  	_ =	shalt  }
0x60: {  	_ =	shalt  }
0x61: {  	_ =	shalt  }
0x62: {  	_ =	shalt  }
0x63: {  	_ =	shalt  }
0x64: {  	_ =	shalt  }
0x65: {  	_ =	shalt  }
0x66: {  	_ =	shalt  }
0x67: {  	_ =	shalt  }
0x68: {  	_ =	shalt  }
0x69: {  	_ =	shalt  }
0x6a: {  	_ =	shalt  }
0x6b: {  	_ =	shalt  }
0x6c: {  	_ =	shalt  }
0x6d: {  	_ =	shalt  }
0x6e: {  	_ =	shalt  }
0x6f: {  	_ =	shalt  }
0x70: {  	_ =	shalt  }
0x71: {  	_ =	shalt  }
0x72: {  	_ =	shalt  }
0x73: {  	_ =	shalt  }
0x74: {  	_ =	shalt  }
0x75: {  	_ =	shalt  }
0x76: {  	_ =	shalt  }
0x77: {  	_ =	shalt  }
0x78: {  	_ =	shalt  }
0x79: {  	_ =	shalt  }
0x7a: {  	_ =	shalt  }
0x7b: {  	_ =	shalt  }
0x7c: {  	_ =	shalt  }
0x7d: {  	_ =	shalt  }
0x7e: {  	_ =	shalt  }
0x7f: {  	_ =	shalt  }
0x80: {  	_ =	shalt  }
0x81: {  	_ =	shalt  }
0x82: {  	_ =	shalt  }
0x83: {  	_ =	shalt  }
0x84: {  	_ =	shalt  }
0x85: {  	_ =	shalt  }
0x86: {  	_ =	shalt  }
0x87: {  	_ =	shalt  }
.Lfunc_end0:
.L_simem_size_0:
called_computation_lowered:
.L_overlay_start_0:
0x88: {  	s2 =	sld [smem:$0x3FD9]  }
0x89: {  	s3 =	sld [smem:$0x3FFE];
	_ =	sdelay $0x1  }
0x8a: {  	s1 =	srdreg.scid  }
0x8b: {  	s0 =	sand.u32 $0x1, s1  }
0x8c: {  	s17 =	sshll.u32 s0, $0xA;
	s2 =	sadd.s32 s3, s2  }
0x8d: {  	s2 =	sadd.s32 s2, s17  }
0x8e: {  	[smem:$0x3FBC] =	sst s2  }
0x8f: {  	_ = 	snop  }
0x90: {  	s2 =	sld [smem:$0x3FD0];
	(tm) =	ssettm $0x1  }
0x91: {  	s18 =	sld [smem:$0x3FFB];
	_ =	sdelay $0x3  }
0x92: {  	_ =	strace s18  }
0x93: {  	s3 =	sld [smem:$0x3FFC];
	_ =	sdelay $0x3  }
0x94: {  	_ =	strace s3  }
0x95: {  	s3 =	sld [smem:$0x3FFD];
	_ =	sdelay $0x3  }
0x96: {  	_ =	strace s3  }
0x97: {  	_ =	strace $0x8FFFFFFF  }
0x98: {  	s19 =	sld [smem:$0x3FDB];
	_ =	sdelay $0x1  }
0x99: {  	s4 =	simm.s32 $_scs_section_size  }
0x9a: {  	s5 =	simm.s32 $_size__tile_overlayer_lowered;
	s6 =	simm.s32 $_tile_overlayer_lowered  }
0x9b: {  	s22 =	simm.s32 $0x1BFF;
	s21 =	sshll.u32 s6, $0x1;
	s3 =	sadd.s32 s4, s19  }
0x9c: {  	s7 =	simm.s32 $0x0;
	s20 =	sshll.u32 s5, $0x1;
	s5 =	sadd.s32 s21, s3  }
0x9d: {  	[timem:s7], [sflag:s22] =	dma.local [hbm:s5], s20  }
0x9e: {  	_ =	swait.ge [sflag:s22], s20  }
0x9f: {  	s4 =	ssub.s32 $0x0, s20;
	[sflag:s22] =	ssyncset.done $0x0  }
0xa0: {  	[sflag:s22] =	ssyncadd.s32 s4;
	_ =	sdelay $0x1  }
0xa1: {  	s23 =	simm.s32 $0x1B8B  }
0xa2: {  	_ =	swait.ge [sflag:s23], $0x1  }
0xa3: {  	[sflag:s23] =	ssyncset.done $0x0  }
0xa4: {  	s25 =	simm.s32 $0x1B8E;
	s24 =	sld [smem:$0x3FFE];
	[sflag:s23] =	ssyncadd.s32 $0xFFFFFFFF  }
0xa5: {  	s26 =	simm.s32 $execute0_lowered;
	[smem:$0x3FD2] =	sst s25  }
0xa6: {  	s5 =	sshll.u32 s26, $0x1;
	_ =	strace $0x80000046;
	[dreg:$0x1] =	wrdreg $0xFFFFFFFF  }
0xa7: {  	s28 =	simm.s32 $_size_execute0_lowered;
	s3 =	sadd.s32 s3, s5;
	[dreg:$0x0] =	wrdreg $0x0  }
0xa8: {  	s5 =	sshll.u32 s28, $0x1;
	[dreg:$0x2] =	wrdreg s3  }
0xa9: {  	[dreg:$0x3] =	wrdreg s5  }
0xaa: {  	[dreg:$0x4] =	wrdreg $0xC0  }
0xab: {  	_ =	task [dreg:s7], $0x5FFFF  }
0xac: {  	[dreg:$0x1] =	wrdreg $0xFFFFFFFF  }
0xad: {  	[dreg:$0x0] =	wrdreg $0x60  }
0xae: {  	[dreg:$0x2] =	wrdreg s24  }
0xaf: {  	[dreg:$0x3] =	wrdreg s2  }
0xb0: {  	[dreg:$0x4] =	wrdreg $0x9  }
0xb1: {  	_ =	task.clear_ibuf [dreg:s7], $0x5FFFF;
	_ =	strace $0x90000046  }
0xb2: {  	s29 =	simm.s32 $0x9;
	_ =	strace $0x80000048  }
0xb3: {  	_ =	swait.ge [sflag:s29], $0x1  }
0xb4: {  	[sflag:s29] =	ssyncadd.s32 $0xFFFFFFFF  }
0xb5: {  	_ =	strace $0x90000048  }
0xb6: {  	_ =	sfence  }
0xb7: {  	s30 =	sld [smem:$0x0];
	_ =	sdelay $0x2  }
0xb8: {  	s31 =	sshll.u32 s1, $0xD;
	s1 =	sshrl.u32 s1, $0x2  }
0xb9: {  	s3 =	sand.u32 $0x4000, s31;
	s1 =	sadd.s32 s1, s30  }
0xba: {  	s0 =	sor.u32 s3, s0;
	s1 =	sshll.u32 s1, $0x11  }
0xbb: {  	s0 =	sor.u32 s1, s0  }
0xbc: {  	s0 =	sadd.s32 $0x8F2B, s0  }
0xbd: {  	[sflag:s0] =	ssyncadd.remote.s32 $0x1  }
0xbe: {  	_ =	sfence.sel $0xFFFF  }
0xbf: {  	[dreg:$0x0] =	wrdreg $0xFFFFFFFF;
	(pc) =	sbr.abs _section_cstart, $3  }
0xc0: {  	[dreg:$0x1] =	wrdreg $0xFFFFFFFF  }
0xc1: {  	_ =	task.clear_ibuf [dreg:s7], $0x2FFFF;
	_ =	strace $0x9FFFFFFF  }
0xc2: {  	(tm) =	ssettm $0x7FFFFFFF  }
0xc3: {  	_ =	shalt  }
tec
execute0_lowered:
.L_overlay_start_1:
0x0: {  	(tag) =	ssettag $0x1  }
0x1: {  	s1 =	srdreg.scid  }
0x2: {  	s0 =	stileid.u32;
	s1 =	sand.u32 $0x1, s1  }
0x3: {  	s4 =	rddreg [dreg:$0x0];
	s5 =	sshll.u32 s0, $0xC;
	s6 =	sshll.u32 s1, $0xB  }
0x4: {  	s3 =	rddreg [dreg:$0x1];
	s5 =	sor.u32 s6, s5  }
0x5: {  	s2 =	simm.s32 $0x0;
	s6 =	sshll.u32 s5, $0x4;
	s5 =	sshrl.u32 s5, $0x3  }
0x6: {  	[smem:$0x7FF] =	sst s2;
	s31 =	sadd.s32 s6, s4;
	s3 =	sadd.s32 s3, s5  }
0x7: {  	_ =	strace $0x80000047;
	[dreg:$0x3] =	wrdreg s3;
	s18 =	sadd.s32 $0x12000, s31  }
0x8: {  	s19 =	sadd.s32 $0x12800, s31;
	[dreg:$0x4] =	wrdreg s18  }
0x9: {  	s20 =	sadd.s32 $0x13000, s31;
	[dreg:$0x5] =	wrdreg s19  }
0xa: {  	s21 =	sadd.s32 $0x13800, s31;
	[dreg:$0x6] =	wrdreg s20  }
0xb: {  	s22 =	sadd.s32 $0x14000, s31;
	[dreg:$0x7] =	wrdreg s21  }
0xc: {  	[dreg:$0x8] =	wrdreg s22  }
0xd: {  	s23 =	sadd.s32 $0x14800, s31;
	s24 =	rddreg [dreg:$0x3]  }
0xe: {  	s25 =	sadd.s32 $0x15000, s31;
	[dreg:$0x9] =	wrdreg s23  }
0xf: {  	s3 =	simm.s32 $0x2;
	[dreg:$0xa] =	wrdreg s25  }
0x10: {  	[tilespmem:s2], [sflag:$0x2] =	stream.linear.gather [hbm4b:s24+s2], $0x800, $0x38;
	[tilespmem:$0x4800] =	vst v63  }
0x11: {  	_ =	swait.ge [sflag:s3], $0x800  }
0x12: {  	s7 =	simm.s32 $0x1;
	s4 =	sadd.s32 $0x2000, s4;
	[sflag:s3] =	ssyncset.done $0x0  }
0x13: {  	s5 =	simm.s32 $0x80;
	s6 =	simm.s32 $0x800;
	[sflag:s3] =	ssyncadd.s32 $0xFFFFF800  }
0x14: {  	[tilespmem:s6], [sflag:$0x1] =	stream.indirect.gather [hbm4b:s4+s5], $0x80, s2, s5, $0xb8;
	[tilespmem:$0x4800] =	vst v63  }
0x15: {  	_ =	swait.ge [sflag:s7], $0x4000  }
0x16: {  	[sflag:s7] =	ssyncset.done $0x0  }
0x17: {  	s8 =	rddreg [dreg:$0x4];
	[sflag:s7] =	ssyncadd.s32 $0xFFFFC000  }
0x18: {  	[hbm4b:s8+s2] =	stream.linear.scatter [tilespmem:s6], [sflag:$0x2], $0x4000, $0x38;
	[tilespmem:$0x4800] =	vst v63  }
0x19: {  	_ =	swait.ge [sflag:s3], $0x4000  }
0x1a: {  	[sflag:s3] =	ssyncset.done $0x0  }
0x1b: {  	[sflag:s3] =	ssyncadd.s32 $0xFFFFC000  }
0x1c: {  	[tilespmem:s6], [sflag:$0x1] =	stream.indirect.gather [hbm4b:s4+s5], $0x80, s5, s5, $0xb8;
	[tilespmem:$0x4800] =	vst v63  }
0x1d: {  	_ =	swait.ge [sflag:s7], $0x4000  }
0x1e: {  	[sflag:s7] =	ssyncset.done $0x0  }
0x1f: {  	s26 =	rddreg [dreg:$0x5];
	[sflag:s7] =	ssyncadd.s32 $0xFFFFC000  }
0x20: {  	[hbm4b:s26+s2] =	stream.linear.scatter [tilespmem:s6], [sflag:$0x2], $0x4000, $0x38;
	[tilespmem:$0x4800] =	vst v63  }
0x21: {  	_ =	swait.ge [sflag:s3], $0x4000  }
0x22: {  	[sflag:s3] =	ssyncset.done $0x0  }
0x23: {  	s8 =	simm.s32 $0x100;
	[sflag:s3] =	ssyncadd.s32 $0xFFFFC000  }
0x24: {  	[tilespmem:s6], [sflag:$0x1] =	stream.indirect.gather [hbm4b:s4+s5], $0x80, s8, s5, $0xb8;
	[tilespmem:$0x4800] =	vst v63  }
0x25: {  	_ =	swait.ge [sflag:s7], $0x4000  }
0x26: {  	[sflag:s7] =	ssyncset.done $0x0  }
0x27: {  	s9 =	rddreg [dreg:$0x6];
	[sflag:s7] =	ssyncadd.s32 $0xFFFFC000  }
0x28: {  	[hbm4b:s9+s2] =	stream.linear.scatter [tilespmem:s6], [sflag:$0x2], $0x4000, $0x38;
	[tilespmem:$0x4800] =	vst v63  }
0x29: {  	_ =	swait.ge [sflag:s3], $0x4000  }
0x2a: {  	[sflag:s3] =	ssyncset.done $0x0  }
0x2b: {  	s9 =	simm.s32 $0x180;
	[sflag:s3] =	ssyncadd.s32 $0xFFFFC000  }
0x2c: {  	[tilespmem:s6], [sflag:$0x1] =	stream.indirect.gather [hbm4b:s4+s5], $0x80, s9, s5, $0xb8;
	[tilespmem:$0x4800] =	vst v63  }
0x2d: {  	_ =	swait.ge [sflag:s7], $0x4000  }
0x2e: {  	[sflag:s7] =	ssyncset.done $0x0  }
0x2f: {  	s10 =	rddreg [dreg:$0x7];
	[sflag:s7] =	ssyncadd.s32 $0xFFFFC000  }
0x30: {  	[hbm4b:s10+s2] =	stream.linear.scatter [tilespmem:s6], [sflag:$0x2], $0x4000, $0x38;
	[tilespmem:$0x4800] =	vst v63  }
0x31: {  	_ =	swait.ge [sflag:s3], $0x4000  }
0x32: {  	[sflag:s3] =	ssyncset.done $0x0  }
0x33: {  	s10 =	simm.s32 $0x200;
	[sflag:s3] =	ssyncadd.s32 $0xFFFFC000  }
0x34: {  	[tilespmem:s6], [sflag:$0x1] =	stream.indirect.gather [hbm4b:s4+s5], $0x80, s10, s5, $0xb8;
	[tilespmem:$0x4800] =	vst v63  }
0x35: {  	_ =	swait.ge [sflag:s7], $0x4000  }
0x36: {  	[sflag:s7] =	ssyncset.done $0x0  }
0x37: {  	s11 =	rddreg [dreg:$0x8];
	[sflag:s7] =	ssyncadd.s32 $0xFFFFC000  }
0x38: {  	[hbm4b:s11+s2] =	stream.linear.scatter [tilespmem:s6], [sflag:$0x2], $0x4000, $0x38;
	[tilespmem:$0x4800] =	vst v63  }
0x39: {  	_ =	swait.ge [sflag:s3], $0x4000  }
0x3a: {  	[sflag:s3] =	ssyncset.done $0x0  }
0x3b: {  	s11 =	simm.s32 $0x280;
	[sflag:s3] =	ssyncadd.s32 $0xFFFFC000  }
0x3c: {  	[tilespmem:s6], [sflag:$0x1] =	stream.indirect.gather [hbm4b:s4+s5], $0x80, s11, s5, $0xb8;
	[tilespmem:$0x4800] =	vst v63  }
0x3d: {  	_ =	swait.ge [sflag:s7], $0x4000  }
0x3e: {  	[sflag:s7] =	ssyncset.done $0x0  }
0x3f: {  	s12 =	rddreg [dreg:$0x9];
	[sflag:s7] =	ssyncadd.s32 $0xFFFFC000  }
0x40: {  	[hbm4b:s12+s2] =	stream.linear.scatter [tilespmem:s6], [sflag:$0x2], $0x4000, $0x38;
	[tilespmem:$0x4800] =	vst v63  }
0x41: {  	_ =	swait.ge [sflag:s3], $0x4000  }
0x42: {  	[sflag:s3] =	ssyncset.done $0x0  }
0x43: {  	s12 =	simm.s32 $0x300;
	[sflag:s3] =	ssyncadd.s32 $0xFFFFC000  }
0x44: {  	[tilespmem:s6], [sflag:$0x1] =	stream.indirect.gather [hbm4b:s4+s5], $0x80, s12, s5, $0xb8;
	[tilespmem:$0x4800] =	vst v63  }
0x45: {  	_ =	swait.ge [sflag:s7], $0x4000  }
0x46: {  	[sflag:s7] =	ssyncset.done $0x0  }
0x47: {  	s13 =	rddreg [dreg:$0xa];
	[sflag:s7] =	ssyncadd.s32 $0xFFFFC000  }
0x48: {  	[hbm4b:s13+s2] =	stream.linear.scatter [tilespmem:s6], [sflag:$0x2], $0x4000, $0x38;
	[tilespmem:$0x4800] =	vst v63  }
0x49: {  	_ =	swait.ge [sflag:s3], $0x4000  }
0x4a: {  	[sflag:s3] =	ssyncset.done $0x0  }
0x4b: {  	s13 =	simm.s32 $0x380;
	[sflag:s3] =	ssyncadd.s32 $0xFFFFC000  }
0x4c: {  	[tilespmem:s6], [sflag:$0x1] =	stream.indirect.gather [hbm4b:s4+s5], $0x80, s13, s5, $0xb8;
	[tilespmem:$0x4800] =	vst v63  }
0x4d: {  	_ =	swait.ge [sflag:s7], $0x4000  }
0x4e: {  	[sflag:s7] =	ssyncset.done $0x0  }
0x4f: {  	s14 =	sadd.s32 $0x15800, s31;
	[sflag:s7] =	ssyncadd.s32 $0xFFFFC000  }
0x50: {  	[hbm4b:s14+s2] =	stream.linear.scatter [tilespmem:s6], [sflag:$0x2], $0x4000, $0x38;
	[tilespmem:$0x4800] =	vst v63  }
0x51: {  	_ =	swait.ge [sflag:s3], $0x4000  }
0x52: {  	[sflag:s3] =	ssyncset.done $0x0  }
0x53: {  	s15 =	simm.s32 $0x400;
	[sflag:s3] =	ssyncadd.s32 $0xFFFFC000  }
0x54: {  	[tilespmem:s6], [sflag:$0x1] =	stream.indirect.gather [hbm4b:s4+s5], $0x80, s15, s5, $0xb8;
	[tilespmem:$0x4800] =	vst v63  }
0x55: {  	_ =	swait.ge [sflag:s7], $0x4000  }
0x56: {  	[sflag:s7] =	ssyncset.done $0x0  }
0x57: {  	s16 =	sadd.s32 $0x16000, s31;
	[sflag:s7] =	ssyncadd.s32 $0xFFFFC000  }
0x58: {  	[hbm4b:s16+s2] =	stream.linear.scatter [tilespmem:s6], [sflag:$0x2], $0x4000, $0x38;
	[tilespmem:$0x4800] =	vst v63  }
0x59: {  	_ =	swait.ge [sflag:s3], $0x4000  }
0x5a: {  	[sflag:s3] =	ssyncset.done $0x0  }
0x5b: {  	s17 =	simm.s32 $0x480;
	[sflag:s3] =	ssyncadd.s32 $0xFFFFC000  }
0x5c: {  	[tilespmem:s6], [sflag:$0x1] =	stream.indirect.gather [hbm4b:s4+s5], $0x80, s17, s5, $0xb8;
	[tilespmem:$0x4800] =	vst v63  }
0x5d: {  	_ =	swait.ge [sflag:s7], $0x4000  }
0x5e: {  	[sflag:s7] =	ssyncset.done $0x0  }
0x5f: {  	s18 =	sadd.s32 $0x16800, s31;
	[sflag:s7] =	ssyncadd.s32 $0xFFFFC000  }
0x60: {  	[hbm4b:s18+s2] =	stream.linear.scatter [tilespmem:s6], [sflag:$0x2], $0x4000, $0x38;
	[tilespmem:$0x4800] =	vst v63  }
0x61: {  	_ =	swait.ge [sflag:s3], $0x4000  }
0x62: {  	[sflag:s3] =	ssyncset.done $0x0  }
0x63: {  	s19 =	simm.s32 $0x500;
	[sflag:s3] =	ssyncadd.s32 $0xFFFFC000  }
0x64: {  	[tilespmem:s6], [sflag:$0x1] =	stream.indirect.gather [hbm4b:s4+s5], $0x80, s19, s5, $0xb8;
	[tilespmem:$0x4800] =	vst v63  }
0x65: {  	_ =	swait.ge [sflag:s7], $0x4000  }
0x66: {  	[sflag:s7] =	ssyncset.done $0x0  }
0x67: {  	s20 =	sadd.s32 $0x17000, s31;
	[sflag:s7] =	ssyncadd.s32 $0xFFFFC000  }
0x68: {  	[hbm4b:s20+s2] =	stream.linear.scatter [tilespmem:s6], [sflag:$0x2], $0x4000, $0x38;
	[tilespmem:$0x4800] =	vst v63  }
0x69: {  	_ =	swait.ge [sflag:s3], $0x4000  }
0x6a: {  	[sflag:s3] =	ssyncset.done $0x0  }
0x6b: {  	s21 =	simm.s32 $0x580;
	[sflag:s3] =	ssyncadd.s32 $0xFFFFC000  }
0x6c: {  	[tilespmem:s6], [sflag:$0x1] =	stream.indirect.gather [hbm4b:s4+s5], $0x80, s21, s5, $0xb8;
	[tilespmem:$0x4800] =	vst v63  }
0x6d: {  	_ =	swait.ge [sflag:s7], $0x4000  }
0x6e: {  	[sflag:s7] =	ssyncset.done $0x0  }
0x6f: {  	s22 =	sadd.s32 $0x17800, s31;
	[sflag:s7] =	ssyncadd.s32 $0xFFFFC000  }
0x70: {  	[hbm4b:s22+s2] =	stream.linear.scatter [tilespmem:s6], [sflag:$0x2], $0x4000, $0x38;
	[tilespmem:$0x4800] =	vst v63  }
0x71: {  	_ =	swait.ge [sflag:s3], $0x4000  }
0x72: {  	[sflag:s3] =	ssyncset.done $0x0  }
0x73: {  	s23 =	simm.s32 $0x600;
	[sflag:s3] =	ssyncadd.s32 $0xFFFFC000  }
0x74: {  	[tilespmem:s6], [sflag:$0x1] =	stream.indirect.gather [hbm4b:s4+s5], $0x80, s23, s5, $0xb8;
	[tilespmem:$0x4800] =	vst v63  }
0x75: {  	_ =	swait.ge [sflag:s7], $0x4000  }
0x76: {  	[sflag:s7] =	ssyncset.done $0x0  }
0x77: {  	s24 =	sadd.s32 $0x18000, s31;
	[sflag:s7] =	ssyncadd.s32 $0xFFFFC000  }
0x78: {  	[hbm4b:s24+s2] =	stream.linear.scatter [tilespmem:s6], [sflag:$0x2], $0x4000, $0x38;
	[tilespmem:$0x4800] =	vst v63  }
0x79: {  	_ =	swait.ge [sflag:s3], $0x4000  }
0x7a: {  	[sflag:s3] =	ssyncset.done $0x0  }
0x7b: {  	s25 =	simm.s32 $0x680;
	[sflag:s3] =	ssyncadd.s32 $0xFFFFC000  }
0x7c: {  	[tilespmem:s6], [sflag:$0x1] =	stream.indirect.gather [hbm4b:s4+s5], $0x80, s25, s5, $0xb8;
	[tilespmem:$0x4800] =	vst v63  }
0x7d: {  	_ =	swait.ge [sflag:s7], $0x4000  }
0x7e: {  	[sflag:s7] =	ssyncset.done $0x0  }
0x7f: {  	s26 =	sadd.s32 $0x18800, s31;
	[sflag:s7] =	ssyncadd.s32 $0xFFFFC000  }
0x80: {  	[hbm4b:s26+s2] =	stream.linear.scatter [tilespmem:s6], [sflag:$0x2], $0x4000, $0x38;
	[tilespmem:$0x4800] =	vst v63  }
0x81: {  	_ =	swait.ge [sflag:s3], $0x4000  }
0x82: {  	[sflag:s3] =	ssyncset.done $0x0  }
0x83: {  	s28 =	simm.s32 $0x700;
	[sflag:s3] =	ssyncadd.s32 $0xFFFFC000  }
0x84: {  	[tilespmem:s6], [sflag:$0x1] =	stream.indirect.gather [hbm4b:s4+s5], $0x80, s28, s5, $0xb8;
	[tilespmem:$0x4800] =	vst v63  }
0x85: {  	_ =	swait.ge [sflag:s7], $0x4000  }
0x86: {  	s1 =	ssub.s32 $0x2, s1;
	[sflag:s7] =	ssyncset.done $0x0  }
0x87: {  	s0 =	sshrl.u32 s1, $0x1;
	s29 =	sadd.s32 $0x19000, s31;
	[sflag:s7] =	ssyncadd.s32 $0xFFFFC000  }
0x88: {  	[hbm4b:s29+s2] =	stream.linear.scatter [tilespmem:s6], [sflag:$0x2], $0x4000, $0x38;
	[tilespmem:$0x4800] =	vst v63  }
0x89: {  	s0 =	ssub.s32 s1, s0;
	_ =	swait.ge [sflag:s3], $0x4000  }
0x8a: {  	s0 =	smax.u32 s0, $0x1;
	[sflag:s3] =	ssyncset.done $0x0  }
0x8b: {  	s30 =	simm.s32 $0x780;
	p0 =	sne.s32 s0, $0x1;
	[sflag:s3] =	ssyncadd.s32 $0xFFFFC000  }
0x8c: {  	[tilespmem:s6], [sflag:$0x1] =	stream.indirect.gather [hbm4b:s4+s5], $0x80, s30, s5, $0xb8;
	[tilespmem:$0x4800] =	vst v63  }
.Ltmp0:
0x8d: {  	_ =	swait.ge [sflag:s7], $0x4000;
	(pc) =	sbr.rel @!p0 .LBB2_2-.Ltmp0, $4  }
0x8e: {  	[sflag:s7] =	ssyncset.done $0x0  }
0x8f: {  	s31 =	sadd.s32 $0x19800, s31;
	[sflag:s7] =	ssyncadd.s32 $0xFFFFC000  }
0x90: {  	[hbm4b:s31+s2] =	stream.linear.scatter [tilespmem:s6], [sflag:$0x2], $0x4000, $0x38;
	[tilespmem:$0x4800] =	vst v63  }
0x91: {  	s1 =	sadd.s32 $0xFFFFFFFF, s0;
	_ =	swait.ge [sflag:s3], $0x4000  }
.LBB2_1:
0x92: {  	[sflag:s3] =	ssyncset.done $0x0  }
0x93: {  	s0 =	rddreg [dreg:$0x3];
	[sflag:s3] =	ssyncadd.s32 $0xFFFFC000  }
0x94: {  	[tilespmem:s2], [sflag:$0x2] =	stream.linear.gather [hbm4b:s0+s2], $0x800, $0x38;
	[tilespmem:$0x4800] =	vst v63  }
0x95: {  	_ =	swait.ge [sflag:s3], $0x800  }
0x96: {  	[sflag:s3] =	ssyncset.done $0x0  }
0x97: {  	[sflag:s3] =	ssyncadd.s32 $0xFFFFF800  }
0x98: {  	[tilespmem:s6], [sflag:$0x1] =	stream.indirect.gather [hbm4b:s4+s5], $0x80, s2, s5, $0xb8;
	[tilespmem:$0x4800] =	vst v63  }
0x99: {  	_ =	swait.ge [sflag:s7], $0x4000  }
0x9a: {  	[sflag:s7] =	ssyncset.done $0x0  }
0x9b: {  	s0 =	rddreg [dreg:$0x4];
	[sflag:s7] =	ssyncadd.s32 $0xFFFFC000  }
0x9c: {  	[hbm4b:s0+s2] =	stream.linear.scatter [tilespmem:s6], [sflag:$0x2], $0x4000, $0x38;
	[tilespmem:$0x4800] =	vst v63  }
0x9d: {  	_ =	swait.ge [sflag:s3], $0x4000  }
0x9e: {  	[sflag:s3] =	ssyncset.done $0x0  }
0x9f: {  	[sflag:s3] =	ssyncadd.s32 $0xFFFFC000  }
0xa0: {  	[tilespmem:s6], [sflag:$0x1] =	stream.indirect.gather [hbm4b:s4+s5], $0x80, s5, s5, $0xb8;
	[tilespmem:$0x4800] =	vst v63  }
0xa1: {  	_ =	swait.ge [sflag:s7], $0x4000  }
0xa2: {  	[sflag:s7] =	ssyncset.done $0x0  }
0xa3: {  	s0 =	rddreg [dreg:$0x5];
	[sflag:s7] =	ssyncadd.s32 $0xFFFFC000  }
0xa4: {  	[hbm4b:s0+s2] =	stream.linear.scatter [tilespmem:s6], [sflag:$0x2], $0x4000, $0x38;
	[tilespmem:$0x4800] =	vst v63  }
0xa5: {  	_ =	swait.ge [sflag:s3], $0x4000  }
0xa6: {  	[sflag:s3] =	ssyncset.done $0x0  }
0xa7: {  	[sflag:s3] =	ssyncadd.s32 $0xFFFFC000  }
0xa8: {  	[tilespmem:s6], [sflag:$0x1] =	stream.indirect.gather [hbm4b:s4+s5], $0x80, s8, s5, $0xb8;
	[tilespmem:$0x4800] =	vst v63  }
0xa9: {  	_ =	swait.ge [sflag:s7], $0x4000  }
0xaa: {  	[sflag:s7] =	ssyncset.done $0x0  }
0xab: {  	s0 =	rddreg [dreg:$0x6];
	[sflag:s7] =	ssyncadd.s32 $0xFFFFC000  }
0xac: {  	[hbm4b:s0+s2] =	stream.linear.scatter [tilespmem:s6], [sflag:$0x2], $0x4000, $0x38;
	[tilespmem:$0x4800] =	vst v63  }
0xad: {  	_ =	swait.ge [sflag:s3], $0x4000  }
0xae: {  	[sflag:s3] =	ssyncset.done $0x0  }
0xaf: {  	[sflag:s3] =	ssyncadd.s32 $0xFFFFC000  }
0xb0: {  	[tilespmem:s6], [sflag:$0x1] =	stream.indirect.gather [hbm4b:s4+s5], $0x80, s9, s5, $0xb8;
	[tilespmem:$0x4800] =	vst v63  }
0xb1: {  	_ =	swait.ge [sflag:s7], $0x4000  }
0xb2: {  	[sflag:s7] =	ssyncset.done $0x0  }
0xb3: {  	s0 =	rddreg [dreg:$0x7];
	[sflag:s7] =	ssyncadd.s32 $0xFFFFC000  }
0xb4: {  	[hbm4b:s0+s2] =	stream.linear.scatter [tilespmem:s6], [sflag:$0x2], $0x4000, $0x38;
	[tilespmem:$0x4800] =	vst v63  }
0xb5: {  	_ =	swait.ge [sflag:s3], $0x4000  }
0xb6: {  	[sflag:s3] =	ssyncset.done $0x0  }
0xb7: {  	[sflag:s3] =	ssyncadd.s32 $0xFFFFC000  }
0xb8: {  	[tilespmem:s6], [sflag:$0x1] =	stream.indirect.gather [hbm4b:s4+s5], $0x80, s10, s5, $0xb8;
	[tilespmem:$0x4800] =	vst v63  }
0xb9: {  	_ =	swait.ge [sflag:s7], $0x4000  }
0xba: {  	[sflag:s7] =	ssyncset.done $0x0  }
0xbb: {  	s0 =	rddreg [dreg:$0x8];
	[sflag:s7] =	ssyncadd.s32 $0xFFFFC000  }
0xbc: {  	[hbm4b:s0+s2] =	stream.linear.scatter [tilespmem:s6], [sflag:$0x2], $0x4000, $0x38;
	[tilespmem:$0x4800] =	vst v63  }
0xbd: {  	_ =	swait.ge [sflag:s3], $0x4000  }
0xbe: {  	[sflag:s3] =	ssyncset.done $0x0  }
0xbf: {  	[sflag:s3] =	ssyncadd.s32 $0xFFFFC000  }
0xc0: {  	[tilespmem:s6], [sflag:$0x1] =	stream.indirect.gather [hbm4b:s4+s5], $0x80, s11, s5, $0xb8;
	[tilespmem:$0x4800] =	vst v63  }
0xc1: {  	_ =	swait.ge [sflag:s7], $0x4000  }
0xc2: {  	[sflag:s7] =	ssyncset.done $0x0  }
0xc3: {  	s0 =	rddreg [dreg:$0x9];
	[sflag:s7] =	ssyncadd.s32 $0xFFFFC000  }
0xc4: {  	[hbm4b:s0+s2] =	stream.linear.scatter [tilespmem:s6], [sflag:$0x2], $0x4000, $0x38;
	[tilespmem:$0x4800] =	vst v63  }
0xc5: {  	_ =	swait.ge [sflag:s3], $0x4000  }
0xc6: {  	[sflag:s3] =	ssyncset.done $0x0  }
0xc7: {  	[sflag:s3] =	ssyncadd.s32 $0xFFFFC000  }
0xc8: {  	[tilespmem:s6], [sflag:$0x1] =	stream.indirect.gather [hbm4b:s4+s5], $0x80, s12, s5, $0xb8;
	[tilespmem:$0x4800] =	vst v63  }
0xc9: {  	_ =	swait.ge [sflag:s7], $0x4000  }
0xca: {  	[sflag:s7] =	ssyncset.done $0x0  }
0xcb: {  	s0 =	rddreg [dreg:$0xa];
	[sflag:s7] =	ssyncadd.s32 $0xFFFFC000  }
0xcc: {  	[hbm4b:s0+s2] =	stream.linear.scatter [tilespmem:s6], [sflag:$0x2], $0x4000, $0x38;
	[tilespmem:$0x4800] =	vst v63  }
0xcd: {  	_ =	swait.ge [sflag:s3], $0x4000  }
0xce: {  	[sflag:s3] =	ssyncset.done $0x0  }
0xcf: {  	[sflag:s3] =	ssyncadd.s32 $0xFFFFC000  }
0xd0: {  	[tilespmem:s6], [sflag:$0x1] =	stream.indirect.gather [hbm4b:s4+s5], $0x80, s13, s5, $0xb8;
	[tilespmem:$0x4800] =	vst v63  }
0xd1: {  	_ =	swait.ge [sflag:s7], $0x4000  }
0xd2: {  	[sflag:s7] =	ssyncset.done $0x0  }
0xd3: {  	[sflag:s7] =	ssyncadd.s32 $0xFFFFC000  }
0xd4: {  	[hbm4b:s14+s2] =	stream.linear.scatter [tilespmem:s6], [sflag:$0x2], $0x4000, $0x38;
	[tilespmem:$0x4800] =	vst v63  }
0xd5: {  	_ =	swait.ge [sflag:s3], $0x4000  }
0xd6: {  	[sflag:s3] =	ssyncset.done $0x0  }
0xd7: {  	[sflag:s3] =	ssyncadd.s32 $0xFFFFC000  }
0xd8: {  	[tilespmem:s6], [sflag:$0x1] =	stream.indirect.gather [hbm4b:s4+s5], $0x80, s15, s5, $0xb8;
	[tilespmem:$0x4800] =	vst v63  }
0xd9: {  	_ =	swait.ge [sflag:s7], $0x4000  }
0xda: {  	[sflag:s7] =	ssyncset.done $0x0  }
0xdb: {  	[sflag:s7] =	ssyncadd.s32 $0xFFFFC000  }
0xdc: {  	[hbm4b:s16+s2] =	stream.linear.scatter [tilespmem:s6], [sflag:$0x2], $0x4000, $0x38;
	[tilespmem:$0x4800] =	vst v63  }
0xdd: {  	_ =	swait.ge [sflag:s3], $0x4000  }
0xde: {  	[sflag:s3] =	ssyncset.done $0x0  }
0xdf: {  	[sflag:s3] =	ssyncadd.s32 $0xFFFFC000  }
0xe0: {  	[tilespmem:s6], [sflag:$0x1] =	stream.indirect.gather [hbm4b:s4+s5], $0x80, s17, s5, $0xb8;
	[tilespmem:$0x4800] =	vst v63  }
0xe1: {  	_ =	swait.ge [sflag:s7], $0x4000  }
0xe2: {  	[sflag:s7] =	ssyncset.done $0x0  }
0xe3: {  	[sflag:s7] =	ssyncadd.s32 $0xFFFFC000  }
0xe4: {  	[hbm4b:s18+s2] =	stream.linear.scatter [tilespmem:s6], [sflag:$0x2], $0x4000, $0x38;
	[tilespmem:$0x4800] =	vst v63  }
0xe5: {  	_ =	swait.ge [sflag:s3], $0x4000  }
0xe6: {  	[sflag:s3] =	ssyncset.done $0x0  }
0xe7: {  	[sflag:s3] =	ssyncadd.s32 $0xFFFFC000  }
0xe8: {  	[tilespmem:s6], [sflag:$0x1] =	stream.indirect.gather [hbm4b:s4+s5], $0x80, s19, s5, $0xb8;
	[tilespmem:$0x4800] =	vst v63  }
0xe9: {  	_ =	swait.ge [sflag:s7], $0x4000  }
0xea: {  	[sflag:s7] =	ssyncset.done $0x0  }
0xeb: {  	[sflag:s7] =	ssyncadd.s32 $0xFFFFC000  }
0xec: {  	[hbm4b:s20+s2] =	stream.linear.scatter [tilespmem:s6], [sflag:$0x2], $0x4000, $0x38;
	[tilespmem:$0x4800] =	vst v63  }
0xed: {  	_ =	swait.ge [sflag:s3], $0x4000  }
0xee: {  	[sflag:s3] =	ssyncset.done $0x0  }
0xef: {  	[sflag:s3] =	ssyncadd.s32 $0xFFFFC000  }
0xf0: {  	[tilespmem:s6], [sflag:$0x1] =	stream.indirect.gather [hbm4b:s4+s5], $0x80, s21, s5, $0xb8;
	[tilespmem:$0x4800] =	vst v63  }
0xf1: {  	_ =	swait.ge [sflag:s7], $0x4000  }
0xf2: {  	[sflag:s7] =	ssyncset.done $0x0  }
0xf3: {  	[sflag:s7] =	ssyncadd.s32 $0xFFFFC000  }
0xf4: {  	[hbm4b:s22+s2] =	stream.linear.scatter [tilespmem:s6], [sflag:$0x2], $0x4000, $0x38;
	[tilespmem:$0x4800] =	vst v63  }
0xf5: {  	_ =	swait.ge [sflag:s3], $0x4000  }
0xf6: {  	[sflag:s3] =	ssyncset.done $0x0  }
0xf7: {  	[sflag:s3] =	ssyncadd.s32 $0xFFFFC000  }
0xf8: {  	[tilespmem:s6], [sflag:$0x1] =	stream.indirect.gather [hbm4b:s4+s5], $0x80, s23, s5, $0xb8;
	[tilespmem:$0x4800] =	vst v63  }
0xf9: {  	_ =	swait.ge [sflag:s7], $0x4000  }
0xfa: {  	[sflag:s7] =	ssyncset.done $0x0  }
0xfb: {  	[sflag:s7] =	ssyncadd.s32 $0xFFFFC000  }
0xfc: {  	[hbm4b:s24+s2] =	stream.linear.scatter [tilespmem:s6], [sflag:$0x2], $0x4000, $0x38;
	[tilespmem:$0x4800] =	vst v63  }
0xfd: {  	_ =	swait.ge [sflag:s3], $0x4000  }
0xfe: {  	[sflag:s3] =	ssyncset.done $0x0  }
0xff: {  	[sflag:s3] =	ssyncadd.s32 $0xFFFFC000  }
0x100: {  	[tilespmem:s6], [sflag:$0x1] =	stream.indirect.gather [hbm4b:s4+s5], $0x80, s25, s5, $0xb8;
	[tilespmem:$0x4800] =	vst v63  }
0x101: {  	_ =	swait.ge [sflag:s7], $0x4000  }
0x102: {  	[sflag:s7] =	ssyncset.done $0x0  }
0x103: {  	[sflag:s7] =	ssyncadd.s32 $0xFFFFC000  }
0x104: {  	[hbm4b:s26+s2] =	stream.linear.scatter [tilespmem:s6], [sflag:$0x2], $0x4000, $0x38;
	[tilespmem:$0x4800] =	vst v63  }
0x105: {  	_ =	swait.ge [sflag:s3], $0x4000  }
0x106: {  	[sflag:s3] =	ssyncset.done $0x0  }
0x107: {  	[sflag:s3] =	ssyncadd.s32 $0xFFFFC000  }
0x108: {  	[tilespmem:s6], [sflag:$0x1] =	stream.indirect.gather [hbm4b:s4+s5], $0x80, s28, s5, $0xb8;
	[tilespmem:$0x4800] =	vst v63  }
0x109: {  	_ =	swait.ge [sflag:s7], $0x4000  }
0x10a: {  	[sflag:s7] =	ssyncset.done $0x0  }
0x10b: {  	[sflag:s7] =	ssyncadd.s32 $0xFFFFC000  }
0x10c: {  	[hbm4b:s29+s2] =	stream.linear.scatter [tilespmem:s6], [sflag:$0x2], $0x4000, $0x38;
	[tilespmem:$0x4800] =	vst v63  }
0x10d: {  	_ =	swait.ge [sflag:s3], $0x4000  }
0x10e: {  	[sflag:s3] =	ssyncset.done $0x0  }
0x10f: {  	p0 =	sne.s32 s1, $0x1;
	[sflag:s3] =	ssyncadd.s32 $0xFFFFC000  }
0x110: {  	[tilespmem:s6], [sflag:$0x1] =	stream.indirect.gather [hbm4b:s4+s5], $0x80, s30, s5, $0xb8;
	[tilespmem:$0x4800] =	vst v63  }
.Ltmp1:
0x111: {  	_ =	swait.ge [sflag:s7], $0x4000;
	(pc) =	sbr.rel @p0 .LBB2_1-.Ltmp1, $4  }
0x112: {  	[sflag:s7] =	ssyncset.done $0x0  }
0x113: {  	[sflag:s7] =	ssyncadd.s32 $0xFFFFC000  }
0x114: {  	[hbm4b:s31+s2] =	stream.linear.scatter [tilespmem:s6], [sflag:$0x2], $0x4000, $0x38;
	[tilespmem:$0x4800] =	vst v63  }
0x115: {  	s1 =	sadd.s32 $0xFFFFFFFF, s1;
	_ =	swait.ge [sflag:s3], $0x4000  }
.LBB2_2:
0x116: {  	[sflag:s3] =	ssyncset.done $0x0  }
0x117: {  	[sflag:s3] =	ssyncadd.s32 $0xFFFFC000  }
0x118: {  	_ =	sfence.sel $0x180000  }
0x119: {  	[bflag:$0x0] =	sbarrier.arrive $0xFFFF  }
0x11a: {  	_ =	strace $0x90000047  }
0x11b: {  	s0 =	stileid.u32;
	[bflag:$0x2] =	sbarrier.arrive $0xFFFF  }
0x11c: {  	p0 =	sne.s32 s0, $0x0;
	s0 =	rddreg [dreg:$0x2]  }
0x11d: {  	s0 =	sadd.s32 @!p0 $0x100000, s0  }
0x11e: {  	[sflag:s0] =	ssyncadd.tile.s32 @!p0 $0x1;
	_ =	shalt  }
.Lfunc_end2:
_tile_overlayer_lowered:
.L_overlay_start_2:
0x11f: {  	(tag) =	ssettag $0x2  }
0x120: {  	s0 =	rddreg [dreg:$0x0];
	s2 =	stileid.u32  }
0x121: {  	s1 =	rddreg [dreg:$0x1];
	p0 =	sne.s32 s2, $0x0  }
0x122: {  	s3 =	rddreg [dreg:$0x2];
	[bflag:$0x3] =	sbarrier.arrive $0xFFFF;
	s2 =	simm.s32 @!p0 $0x1C02  }
0x123: {  	[timem:s3], [sflag:s2] =	dma.local @!p0 [hbm:s0], s1  }
0x124: {  	s0 =	simm.s32 @!p0 $0x2  }
0x125: {  	_ =	swait.ge @!p0 [sflag:s0], s1  }
0x126: {  	s1 =	ssub.s32 @!p0 $0x0, s1;
	[sflag:s0] =	ssyncset.done @!p0 $0x0  }
0x127: {  	[sflag:s0] =	ssyncadd.s32 @!p0 s1  }
0x128: {  	[bflag:$0x3] =	sbarrier.arrive $0xFFFF  }
0x129: {  	_ =	shalt  }

</sc_bundles>
